<compile_context>
chip_gen: v7x
topology: tpu7x:2x2x1
jax: 0.10.2.dev20260603
libtpu: 0.0.44.dev20260713+nightly
codegen_flags: <defaults>
</compile_context>

<pallas_src>
import functools

import jax
import jax.numpy as jnp
from jax import lax
from jax.experimental import pallas as pl
from jax.experimental.pallas import tpu as pltpu
from jax.experimental.pallas import tpu_sc as plsc

N = 128
NC, NS = 2, 16
NW = NC * NS
TOT = 4096 * 200
CPW = TOT // NW
C = 128
NBUF = 5
NCHUNK = CPW // C
NGRP = NCHUNK // NBUF

_mesh = plsc.VectorSubcoreMesh(core_axis_name="c", subcore_axis_name="s")


@functools.partial(
    pl.kernel,
    mesh=_mesh,
    out_type=jax.ShapeDtypeStruct((TOT, N), jnp.float32),
    scratch_types=[
        pltpu.VMEM((CPW,), jnp.int32),
    ] + [pltpu.VMEM((C, N), jnp.float32)] * NBUF
      + [pltpu.SemaphoreType.DMA] * (NBUF + 1),
    compiler_params=pltpu.CompilerParams(
        needs_layout_passes=False, use_tc_tiling_on_sc=False),
)
def _one_hot_sc(idx_hbm, zeros_hbm, out_hbm, idx_v, *bufsem):
    rows_bufs = bufsem[:NBUF]
    sems = bufsem[NBUF:2 * NBUF]
    sem_i = bufsem[2 * NBUF]
    wid = lax.axis_index("s") * NC + lax.axis_index("c")
    lane = lax.iota(jnp.int32, 16)
    ones = jnp.full((16,), 1.0, jnp.float32)
    zeros = jnp.zeros((16,), jnp.float32)
    wbase = wid * CPW

    pltpu.async_copy(idx_hbm.at[pl.ds(wbase, CPW)], idx_v, sem_i)
    for buf, sem in zip(rows_bufs, sems):
        pltpu.async_copy(zeros_hbm, buf, sem)
    pltpu.make_async_copy(idx_hbm.at[pl.ds(wbase, CPW)], idx_v, sem_i).wait()
    for buf, sem in zip(rows_bufs, sems):
        pltpu.make_async_copy(zeros_hbm, buf, sem).wait()

    def scatter(buf, c, val):
        for i in range(C // 16):
            rows = lane + i * 16
            cols = idx_v[pl.ds(c * C + i * 16, 16)]
            plsc.store_scatter(buf, [rows, cols], val)

    def group(p, carry):
        for q, (buf, sem) in enumerate(zip(rows_bufs, sems)):
            c = p * NBUF + q

            @pl.when(p > 0)
            def _recycle():
                pltpu.make_async_copy(
                    buf, out_hbm.at[pl.ds(wbase, C)], sem).wait()
                scatter(buf, c - NBUF, zeros)

            scatter(buf, c, ones)
            pltpu.async_copy(buf, out_hbm.at[pl.ds(wbase + c * C, C)], sem)
        return carry

    lax.fori_loop(0, NGRP, group, 0)
    for buf, sem in zip(rows_bufs, sems):
        pltpu.make_async_copy(buf, out_hbm.at[pl.ds(wbase, C)], sem).wait()


def kernel(Z, eye):
    del eye
    idx = Z.reshape(-1).astype(jnp.int32)
    zeros = jnp.zeros((C, N), jnp.float32)
    out = _one_hot_sc(idx, zeros)
    return out.reshape(Z.shape + (N,))

# --- scband reference (transcript-rebuilt; emitter-appended) ---
"""Pipeline reference for scband-one-hot-37074157699652 (READ-ONLY COPY).

The authoritative reference and input builder live on the scoring server;
editing this copy changes nothing except your own understanding.
"""

import jax, jax.numpy as jnp
import numpy as np

N = 128
B = 4096
L = 200

def setup_inputs(seed: int = 0) -> dict:
    key = jax.random.key(seed)
    k1, _ = jax.random.split(key)
    Z = jax.random.randint(k1, (B, L), 0, N, dtype=jnp.int64)
    eye = jnp.eye(N, dtype=jnp.float32)
    return {"Z": Z, "eye": eye}

def reference(Z, eye):
    # OneHot.forward: self._eye[Z] -> gather rows of identity matrix
    return jnp.take(eye, Z, axis=0)

if __name__ == "__main__":
    import jax
    _d = setup_inputs()
    print(jax.jit(kernel)(*tuple(_d.values())))

</pallas_src>

<mosaic_0001>
#map = affine_map<(d0, d1) -> (0)>
#map1 = affine_map<(d0, d1) -> (0, 0)>
module attributes {stable_mosaic.version = 14 : i64} {
  func.func @_one_hot_sc(%arg0: i32, %arg1: i32, %arg2: memref<819200xi32, #tpu.memory_space<hbm>>, %arg3: memref<128x128xf32, #tpu.memory_space<hbm>>, %arg4: memref<819200x128xf32, #tpu.memory_space<hbm>>, %arg5: memref<25600xi32, #tpu.memory_space<vmem>>, %arg6: memref<128x128xf32, #tpu.memory_space<vmem>>, %arg7: memref<128x128xf32, #tpu.memory_space<vmem>>, %arg8: memref<128x128xf32, #tpu.memory_space<vmem>>, %arg9: memref<128x128xf32, #tpu.memory_space<vmem>>, %arg10: memref<128x128xf32, #tpu.memory_space<vmem>>, %arg11: memref<!tpu.dma_semaphore, #tpu.memory_space<semaphore_mem>>, %arg12: memref<!tpu.dma_semaphore, #tpu.memory_space<semaphore_mem>>, %arg13: memref<!tpu.dma_semaphore, #tpu.memory_space<semaphore_mem>>, %arg14: memref<!tpu.dma_semaphore, #tpu.memory_space<semaphore_mem>>, %arg15: memref<!tpu.dma_semaphore, #tpu.memory_space<semaphore_mem>>, %arg16: memref<!tpu.dma_semaphore, #tpu.memory_space<semaphore_mem>>) attributes {dimension_semantics = [#tpu.dimension_semantics<core_parallel>, #tpu.dimension_semantics<subcore_parallel>], iteration_bounds = array<i64: 2, 16>, scalar_prefetch = 0 : i64, scratch_operands = 12 : i64, tpu.core_type = #tpu.core_type<sc_vector_subcore>, window_params = [{transform_indices = #map}, {transform_indices = #map1}, {transform_indices = #map1}]} {
    %mul3A = arith.constant 2 : i32
    %mul3A_0 = arith.muli %arg1, %mul3A : i32
    %add3A = arith.addi %mul3A_0, %arg0 : i32
    %iota3A = tpu.iota {dimensions = array<i32: 0>} : vector<16xi32>
    %broadcast_in_dim3A = arith.constant 1.000000e+00 : f32
    %broadcast_in_dim3A_1 = vector.broadcast %broadcast_in_dim3A : f32 to vector<16xf32>
    %broadcast_in_dim3A_2 = arith.constant 0.000000e+00 : f32
    %broadcast_in_dim3A_3 = vector.broadcast %broadcast_in_dim3A_2 : f32 to vector<16xf32>
    %mul3A_4 = arith.constant 25600 : i32
    %mul3A_5 = arith.muli %add3A, %mul3A_4 : i32
    %dma_start3A = tpu.memref_slice %arg2[%mul3A_5] : memref<819200xi32, #tpu.memory_space<hbm>> -> memref<25600xi32, #tpu.memory_space<hbm>>
    %dma_start3A_6 = tpu.memref_slice %arg2[%mul3A_5] : memref<819200xi32, #tpu.memory_space<hbm>> -> memref<25600xi32, #tpu.memory_space<hbm>>
    tpu.enqueue_dma source(%dma_start3A_6 : memref<25600xi32, #tpu.memory_space<hbm>>) target(%arg5 : memref<25600xi32, #tpu.memory_space<vmem>>) target_semaphore(%arg16 : memref<!tpu.dma_semaphore, #tpu.memory_space<semaphore_mem>>)
    tpu.enqueue_dma source(%arg3 : memref<128x128xf32, #tpu.memory_space<hbm>>) target(%arg6 : memref<128x128xf32, #tpu.memory_space<vmem>>) target_semaphore(%arg11 : memref<!tpu.dma_semaphore, #tpu.memory_space<semaphore_mem>>)
    tpu.enqueue_dma source(%arg3 : memref<128x128xf32, #tpu.memory_space<hbm>>) target(%arg7 : memref<128x128xf32, #tpu.memory_space<vmem>>) target_semaphore(%arg12 : memref<!tpu.dma_semaphore, #tpu.memory_space<semaphore_mem>>)
    tpu.enqueue_dma source(%arg3 : memref<128x128xf32, #tpu.memory_space<hbm>>) target(%arg8 : memref<128x128xf32, #tpu.memory_space<vmem>>) target_semaphore(%arg13 : memref<!tpu.dma_semaphore, #tpu.memory_space<semaphore_mem>>)
    tpu.enqueue_dma source(%arg3 : memref<128x128xf32, #tpu.memory_space<hbm>>) target(%arg9 : memref<128x128xf32, #tpu.memory_space<vmem>>) target_semaphore(%arg14 : memref<!tpu.dma_semaphore, #tpu.memory_space<semaphore_mem>>)
    tpu.enqueue_dma source(%arg3 : memref<128x128xf32, #tpu.memory_space<hbm>>) target(%arg10 : memref<128x128xf32, #tpu.memory_space<vmem>>) target_semaphore(%arg15 : memref<!tpu.dma_semaphore, #tpu.memory_space<semaphore_mem>>)
    %dma_wait3A = tpu.memref_slice %arg2[%mul3A_5] : memref<819200xi32, #tpu.memory_space<hbm>> -> memref<25600xi32, #tpu.memory_space<hbm>>
    %dma_wait3A_7 = tpu.memref_slice %arg2[%mul3A_5] : memref<819200xi32, #tpu.memory_space<hbm>> -> memref<25600xi32, #tpu.memory_space<hbm>>
    tpu.wait_dma2 semaphore(%arg16 : memref<!tpu.dma_semaphore, #tpu.memory_space<semaphore_mem>>) src(%dma_wait3A_7 : memref<25600xi32, #tpu.memory_space<hbm>>) dst(%arg5 : memref<25600xi32, #tpu.memory_space<vmem>>)
    tpu.wait_dma2 semaphore(%arg11 : memref<!tpu.dma_semaphore, #tpu.memory_space<semaphore_mem>>) src(%arg3 : memref<128x128xf32, #tpu.memory_space<hbm>>) dst(%arg6 : memref<128x128xf32, #tpu.memory_space<vmem>>)
    tpu.wait_dma2 semaphore(%arg12 : memref<!tpu.dma_semaphore, #tpu.memory_space<semaphore_mem>>) src(%arg3 : memref<128x128xf32, #tpu.memory_space<hbm>>) dst(%arg7 : memref<128x128xf32, #tpu.memory_space<vmem>>)
    tpu.wait_dma2 semaphore(%arg13 : memref<!tpu.dma_semaphore, #tpu.memory_space<semaphore_mem>>) src(%arg3 : memref<128x128xf32, #tpu.memory_space<hbm>>) dst(%arg8 : memref<128x128xf32, #tpu.memory_space<vmem>>)
    tpu.wait_dma2 semaphore(%arg14 : memref<!tpu.dma_semaphore, #tpu.memory_space<semaphore_mem>>) src(%arg3 : memref<128x128xf32, #tpu.memory_space<hbm>>) dst(%arg9 : memref<128x128xf32, #tpu.memory_space<vmem>>)
    tpu.wait_dma2 semaphore(%arg15 : memref<!tpu.dma_semaphore, #tpu.memory_space<semaphore_mem>>) src(%arg3 : memref<128x128xf32, #tpu.memory_space<hbm>>) dst(%arg10 : memref<128x128xf32, #tpu.memory_space<vmem>>)
    %scan3A = arith.constant 0 : i32
    %scan3A_8 = arith.constant 0 : i32
    %scan3A_9 = arith.constant 40 : i32
    %scan3A_10 = arith.addi %scan3A_8, %scan3A_9 : i32
    %scan3A_11 = arith.constant 1 : i32
    scf.for %scan3A_33 = %scan3A_8 to %scan3A_10 step %scan3A_11  : i32 {
      %mul3A_34 = arith.constant 5 : i32
      %mul3A_35 = arith.muli %scan3A_33, %mul3A_34 : i32
      %add3A_36 = arith.constant 0 : i32
      %add3A_37 = arith.addi %mul3A_35, %add3A_36 : i32
      %gt3A = arith.constant 0 : i32
      %gt3A_38 = arith.cmpi sgt, %scan3A_33, %gt3A : i32
      %convert_element_type3A = arith.extui %gt3A_38 : i1 to i32
      %cond3A = arith.constant 0 : i32
      %cond3A_39 = arith.cmpi ne, %convert_element_type3A, %cond3A : i32
      scf.if %cond3A_39 {
        %dma_wait3A_470 = arith.constant 0 : i32
        %dma_wait3A_471 = tpu.memref_slice %arg4[%mul3A_5, %dma_wait3A_470] : memref<819200x128xf32, #tpu.memory_space<hbm>> -> memref<128x128xf32, #tpu.memory_space<hbm>>
        %dma_wait3A_472 = arith.constant 0 : i32
        %dma_wait3A_473 = tpu.memref_slice %arg4[%mul3A_5, %dma_wait3A_472] : memref<819200x128xf32, #tpu.memory_space<hbm>> -> memref<128x128xf32, #tpu.memory_space<hbm>>
        tpu.wait_dma2 semaphore(%arg11 : memref<!tpu.dma_semaphore, #tpu.memory_space<semaphore_mem>>) src(%arg6 : memref<128x128xf32, #tpu.memory_space<vmem>>) dst(%dma_wait3A_473 : memref<128x128xf32, #tpu.memory_space<hbm>>)
        %sub3A = arith.constant 5 : i32
        %sub3A_474 = arith.subi %add3A_37, %sub3A : i32
        %add3A_475 = arith.constant 0 : i32
        %add3A_476 = vector.broadcast %add3A_475 : i32 to vector<16xi32>
        %add3A_477 = arith.addi %iota3A, %add3A_476 : vector<16xi32>
        %mul3A_478 = arith.constant 128 : i32
        %mul3A_479 = arith.muli %sub3A_474, %mul3A_478 : i32
        %add3A_480 = arith.constant 0 : i32
        %add3A_481 = arith.addi %mul3A_479, %add3A_480 : i32
        %get3A_482 = arith.index_cast %add3A_481 : i32 to index
        %get3A_483 = tpu.vector_load %arg5[%get3A_482] {strides = array<i32>} : memref<25600xi32, #tpu.memory_space<vmem>>, vector<16xi32>,
        tpu.vector_store_idx %arg6[%add3A_477, %get3A_483], %broadcast_in_dim3A_3 : memref<128x128xf32, #tpu.memory_space<vmem>>[vector<16xi32>, vector<16xi32>], vector<16xf32>,
        %add3A_484 = arith.constant 16 : i32
        %add3A_485 = vector.broadcast %add3A_484 : i32 to vector<16xi32>
        %add3A_486 = arith.addi %iota3A, %add3A_485 : vector<16xi32>
        %mul3A_487 = arith.constant 128 : i32
        %mul3A_488 = arith.muli %sub3A_474, %mul3A_487 : i32
        %add3A_489 = arith.constant 16 : i32
        %add3A_490 = arith.addi %mul3A_488, %add3A_489 : i32
        %get3A_491 = arith.index_cast %add3A_490 : i32 to index
        %get3A_492 = tpu.vector_load %arg5[%get3A_491] {strides = array<i32>} : memref<25600xi32, #tpu.memory_space<vmem>>, vector<16xi32>,
        tpu.vector_store_idx %arg6[%add3A_486, %get3A_492], %broadcast_in_dim3A_3 : memref<128x128xf32, #tpu.memory_space<vmem>>[vector<16xi32>, vector<16xi32>], vector<16xf32>,
        %add3A_493 = arith.constant 32 : i32
        %add3A_494 = vector.broadcast %add3A_493 : i32 to vector<16xi32>
        %add3A_495 = arith.addi %iota3A, %add3A_494 : vector<16xi32>
        %mul3A_496 = arith.constant 128 : i32
        %mul3A_497 = arith.muli %sub3A_474, %mul3A_496 : i32
        %add3A_498 = arith.constant 32 : i32
        %add3A_499 = arith.addi %mul3A_497, %add3A_498 : i32
        %get3A_500 = arith.index_cast %add3A_499 : i32 to index
        %get3A_501 = tpu.vector_load %arg5[%get3A_500] {strides = array<i32>} : memref<25600xi32, #tpu.memory_space<vmem>>, vector<16xi32>,
        tpu.vector_store_idx %arg6[%add3A_495, %get3A_501], %broadcast_in_dim3A_3 : memref<128x128xf32, #tpu.memory_space<vmem>>[vector<16xi32>, vector<16xi32>], vector<16xf32>,
        %add3A_502 = arith.constant 48 : i32
        %add3A_503 = vector.broadcast %add3A_502 : i32 to vector<16xi32>
        %add3A_504 = arith.addi %iota3A, %add3A_503 : vector<16xi32>
        %mul3A_505 = arith.constant 128 : i32
        %mul3A_506 = arith.muli %sub3A_474, %mul3A_505 : i32
        %add3A_507 = arith.constant 48 : i32
        %add3A_508 = arith.addi %mul3A_506, %add3A_507 : i32
        %get3A_509 = arith.index_cast %add3A_508 : i32 to index
        %get3A_510 = tpu.vector_load %arg5[%get3A_509] {strides = array<i32>} : memref<25600xi32, #tpu.memory_space<vmem>>, vector<16xi32>,
        tpu.vector_store_idx %arg6[%add3A_504, %get3A_510], %broadcast_in_dim3A_3 : memref<128x128xf32, #tpu.memory_space<vmem>>[vector<16xi32>, vector<16xi32>], vector<16xf32>,
        %add3A_511 = arith.constant 64 : i32
        %add3A_512 = vector.broadcast %add3A_511 : i32 to vector<16xi32>
        %add3A_513 = arith.addi %iota3A, %add3A_512 : vector<16xi32>
        %mul3A_514 = arith.constant 128 : i32
        %mul3A_515 = arith.muli %sub3A_474, %mul3A_514 : i32
        %add3A_516 = arith.constant 64 : i32
        %add3A_517 = arith.addi %mul3A_515, %add3A_516 : i32
        %get3A_518 = arith.index_cast %add3A_517 : i32 to index
        %get3A_519 = tpu.vector_load %arg5[%get3A_518] {strides = array<i32>} : memref<25600xi32, #tpu.memory_space<vmem>>, vector<16xi32>,
        tpu.vector_store_idx %arg6[%add3A_513, %get3A_519], %broadcast_in_dim3A_3 : memref<128x128xf32, #tpu.memory_space<vmem>>[vector<16xi32>, vector<16xi32>], vector<16xf32>,
        %add3A_520 = arith.constant 80 : i32
        %add3A_521 = vector.broadcast %add3A_520 : i32 to vector<16xi32>
        %add3A_522 = arith.addi %iota3A, %add3A_521 : vector<16xi32>
        %mul3A_523 = arith.constant 128 : i32
        %mul3A_524 = arith.muli %sub3A_474, %mul3A_523 : i32
        %add3A_525 = arith.constant 80 : i32
        %add3A_526 = arith.addi %mul3A_524, %add3A_525 : i32
        %get3A_527 = arith.index_cast %add3A_526 : i32 to index
        %get3A_528 = tpu.vector_load %arg5[%get3A_527] {strides = array<i32>} : memref<25600xi32, #tpu.memory_space<vmem>>, vector<16xi32>,
        tpu.vector_store_idx %arg6[%add3A_522, %get3A_528], %broadcast_in_dim3A_3 : memref<128x128xf32, #tpu.memory_space<vmem>>[vector<16xi32>, vector<16xi32>], vector<16xf32>,
        %add3A_529 = arith.constant 96 : i32
        %add3A_530 = vector.broadcast %add3A_529 : i32 to vector<16xi32>
        %add3A_531 = arith.addi %iota3A, %add3A_530 : vector<16xi32>
        %mul3A_532 = arith.constant 128 : i32
        %mul3A_533 = arith.muli %sub3A_474, %mul3A_532 : i32
        %add3A_534 = arith.constant 96 : i32
        %add3A_535 = arith.addi %mul3A_533, %add3A_534 : i32
        %get3A_536 = arith.index_cast %add3A_535 : i32 to index
        %get3A_537 = tpu.vector_load %arg5[%get3A_536] {strides = array<i32>} : memref<25600xi32, #tpu.memory_space<vmem>>, vector<16xi32>,
        tpu.vector_store_idx %arg6[%add3A_531, %get3A_537], %broadcast_in_dim3A_3 : memref<128x128xf32, #tpu.memory_space<vmem>>[vector<16xi32>, vector<16xi32>], vector<16xf32>,
        %add3A_538 = arith.constant 112 : i32
        %add3A_539 = vector.broadcast %add3A_538 : i32 to vector<16xi32>
        %add3A_540 = arith.addi %iota3A, %add3A_539 : vector<16xi32>
        %mul3A_541 = arith.constant 128 : i32
        %mul3A_542 = arith.muli %sub3A_474, %mul3A_541 : i32
        %add3A_543 = arith.constant 112 : i32
        %add3A_544 = arith.addi %mul3A_542, %add3A_543 : i32
        %get3A_545 = arith.index_cast %add3A_544 : i32 to index
        %get3A_546 = tpu.vector_load %arg5[%get3A_545] {strides = array<i32>} : memref<25600xi32, #tpu.memory_space<vmem>>, vector<16xi32>,
        tpu.vector_store_idx %arg6[%add3A_540, %get3A_546], %broadcast_in_dim3A_3 : memref<128x128xf32, #tpu.memory_space<vmem>>[vector<16xi32>, vector<16xi32>], vector<16xf32>,
      } else {
      }
      %add3A_40 = arith.constant 0 : i32
      %add3A_41 = vector.broadcast %add3A_40 : i32 to vector<16xi32>
      %add3A_42 = arith.addi %iota3A, %add3A_41 : vector<16xi32>
      %mul3A_43 = arith.constant 128 : i32
      %mul3A_44 = arith.muli %add3A_37, %mul3A_43 : i32
      %add3A_45 = arith.constant 0 : i32
      %add3A_46 = arith.addi %mul3A_44, %add3A_45 : i32
      %get3A = arith.index_cast %add3A_46 : i32 to index
      %get3A_47 = tpu.vector_load %arg5[%get3A] {strides = array<i32>} : memref<25600xi32, #tpu.memory_space<vmem>>, vector<16xi32>,
      tpu.vector_store_idx %arg6[%add3A_42, %get3A_47], %broadcast_in_dim3A_1 : memref<128x128xf32, #tpu.memory_space<vmem>>[vector<16xi32>, vector<16xi32>], vector<16xf32>,
      %add3A_48 = arith.constant 16 : i32
      %add3A_49 = vector.broadcast %add3A_48 : i32 to vector<16xi32>
      %add3A_50 = arith.addi %iota3A, %add3A_49 : vector<16xi32>
      %mul3A_51 = arith.constant 128 : i32
      %mul3A_52 = arith.muli %add3A_37, %mul3A_51 : i32
      %add3A_53 = arith.constant 16 : i32
      %add3A_54 = arith.addi %mul3A_52, %add3A_53 : i32
      %get3A_55 = arith.index_cast %add3A_54 : i32 to index
      %get3A_56 = tpu.vector_load %arg5[%get3A_55] {strides = array<i32>} : memref<25600xi32, #tpu.memory_space<vmem>>, vector<16xi32>,
      tpu.vector_store_idx %arg6[%add3A_50, %get3A_56], %broadcast_in_dim3A_1 : memref<128x128xf32, #tpu.memory_space<vmem>>[vector<16xi32>, vector<16xi32>], vector<16xf32>,
      %add3A_57 = arith.constant 32 : i32
      %add3A_58 = vector.broadcast %add3A_57 : i32 to vector<16xi32>
      %add3A_59 = arith.addi %iota3A, %add3A_58 : vector<16xi32>
      %mul3A_60 = arith.constant 128 : i32
      %mul3A_61 = arith.muli %add3A_37, %mul3A_60 : i32
      %add3A_62 = arith.constant 32 : i32
      %add3A_63 = arith.addi %mul3A_61, %add3A_62 : i32
      %get3A_64 = arith.index_cast %add3A_63 : i32 to index
      %get3A_65 = tpu.vector_load %arg5[%get3A_64] {strides = array<i32>} : memref<25600xi32, #tpu.memory_space<vmem>>, vector<16xi32>,
      tpu.vector_store_idx %arg6[%add3A_59, %get3A_65], %broadcast_in_dim3A_1 : memref<128x128xf32, #tpu.memory_space<vmem>>[vector<16xi32>, vector<16xi32>], vector<16xf32>,
      %add3A_66 = arith.constant 48 : i32
      %add3A_67 = vector.broadcast %add3A_66 : i32 to vector<16xi32>
      %add3A_68 = arith.addi %iota3A, %add3A_67 : vector<16xi32>
      %mul3A_69 = arith.constant 128 : i32
      %mul3A_70 = arith.muli %add3A_37, %mul3A_69 : i32
      %add3A_71 = arith.constant 48 : i32
      %add3A_72 = arith.addi %mul3A_70, %add3A_71 : i32
      %get3A_73 = arith.index_cast %add3A_72 : i32 to index
      %get3A_74 = tpu.vector_load %arg5[%get3A_73] {strides = array<i32>} : memref<25600xi32, #tpu.memory_space<vmem>>, vector<16xi32>,
      tpu.vector_store_idx %arg6[%add3A_68, %get3A_74], %broadcast_in_dim3A_1 : memref<128x128xf32, #tpu.memory_space<vmem>>[vector<16xi32>, vector<16xi32>], vector<16xf32>,
      %add3A_75 = arith.constant 64 : i32
      %add3A_76 = vector.broadcast %add3A_75 : i32 to vector<16xi32>
      %add3A_77 = arith.addi %iota3A, %add3A_76 : vector<16xi32>
      %mul3A_78 = arith.constant 128 : i32
      %mul3A_79 = arith.muli %add3A_37, %mul3A_78 : i32
      %add3A_80 = arith.constant 64 : i32
      %add3A_81 = arith.addi %mul3A_79, %add3A_80 : i32
      %get3A_82 = arith.index_cast %add3A_81 : i32 to index
      %get3A_83 = tpu.vector_load %arg5[%get3A_82] {strides = array<i32>} : memref<25600xi32, #tpu.memory_space<vmem>>, vector<16xi32>,
      tpu.vector_store_idx %arg6[%add3A_77, %get3A_83], %broadcast_in_dim3A_1 : memref<128x128xf32, #tpu.memory_space<vmem>>[vector<16xi32>, vector<16xi32>], vector<16xf32>,
      %add3A_84 = arith.constant 80 : i32
      %add3A_85 = vector.broadcast %add3A_84 : i32 to vector<16xi32>
      %add3A_86 = arith.addi %iota3A, %add3A_85 : vector<16xi32>
      %mul3A_87 = arith.constant 128 : i32
      %mul3A_88 = arith.muli %add3A_37, %mul3A_87 : i32
      %add3A_89 = arith.constant 80 : i32
      %add3A_90 = arith.addi %mul3A_88, %add3A_89 : i32
      %get3A_91 = arith.index_cast %add3A_90 : i32 to index
      %get3A_92 = tpu.vector_load %arg5[%get3A_91] {strides = array<i32>} : memref<25600xi32, #tpu.memory_space<vmem>>, vector<16xi32>,
      tpu.vector_store_idx %arg6[%add3A_86, %get3A_92], %broadcast_in_dim3A_1 : memref<128x128xf32, #tpu.memory_space<vmem>>[vector<16xi32>, vector<16xi32>], vector<16xf32>,
      %add3A_93 = arith.constant 96 : i32
      %add3A_94 = vector.broadcast %add3A_93 : i32 to vector<16xi32>
      %add3A_95 = arith.addi %iota3A, %add3A_94 : vector<16xi32>
      %mul3A_96 = arith.constant 128 : i32
      %mul3A_97 = arith.muli %add3A_37, %mul3A_96 : i32
      %add3A_98 = arith.constant 96 : i32
      %add3A_99 = arith.addi %mul3A_97, %add3A_98 : i32
      %get3A_100 = arith.index_cast %add3A_99 : i32 to index
      %get3A_101 = tpu.vector_load %arg5[%get3A_100] {strides = array<i32>} : memref<25600xi32, #tpu.memory_space<vmem>>, vector<16xi32>,
      tpu.vector_store_idx %arg6[%add3A_95, %get3A_101], %broadcast_in_dim3A_1 : memref<128x128xf32, #tpu.memory_space<vmem>>[vector<16xi32>, vector<16xi32>], vector<16xf32>,
      %add3A_102 = arith.constant 112 : i32
      %add3A_103 = vector.broadcast %add3A_102 : i32 to vector<16xi32>
      %add3A_104 = arith.addi %iota3A, %add3A_103 : vector<16xi32>
      %mul3A_105 = arith.constant 128 : i32
      %mul3A_106 = arith.muli %add3A_37, %mul3A_105 : i32
      %add3A_107 = arith.constant 112 : i32
      %add3A_108 = arith.addi %mul3A_106, %add3A_107 : i32
      %get3A_109 = arith.index_cast %add3A_108 : i32 to index
      %get3A_110 = tpu.vector_load %arg5[%get3A_109] {strides = array<i32>} : memref<25600xi32, #tpu.memory_space<vmem>>, vector<16xi32>,
      tpu.vector_store_idx %arg6[%add3A_104, %get3A_110], %broadcast_in_dim3A_1 : memref<128x128xf32, #tpu.memory_space<vmem>>[vector<16xi32>, vector<16xi32>], vector<16xf32>,
      %mul3A_111 = arith.constant 128 : i32
      %mul3A_112 = arith.muli %add3A_37, %mul3A_111 : i32
      %add3A_113 = arith.addi %mul3A_5, %mul3A_112 : i32
      %dma_start3A_114 = arith.constant 0 : i32
      %dma_start3A_115 = tpu.memref_slice %arg4[%add3A_113, %dma_start3A_114] : memref<819200x128xf32, #tpu.memory_space<hbm>> -> memref<128x128xf32, #tpu.memory_space<hbm>>
      %dma_start3A_116 = arith.constant 0 : i32
      %dma_start3A_117 = tpu.memref_slice %arg4[%add3A_113, %dma_start3A_116] : memref<819200x128xf32, #tpu.memory_space<hbm>> -> memref<128x128xf32, #tpu.memory_space<hbm>>
      tpu.enqueue_dma source(%arg6 : memref<128x128xf32, #tpu.memory_space<vmem>>) target(%dma_start3A_117 : memref<128x128xf32, #tpu.memory_space<hbm>>) target_semaphore(%arg11 : memref<!tpu.dma_semaphore, #tpu.memory_space<semaphore_mem>>)
      %mul3A_118 = arith.constant 5 : i32
      %mul3A_119 = arith.muli %scan3A_33, %mul3A_118 : i32
      %add3A_120 = arith.constant 1 : i32
      %add3A_121 = arith.addi %mul3A_119, %add3A_120 : i32
      %gt3A_122 = arith.constant 0 : i32
      %gt3A_123 = arith.cmpi sgt, %scan3A_33, %gt3A_122 : i32
      %convert_element_type3A_124 = arith.extui %gt3A_123 : i1 to i32
      %cond3A_125 = arith.constant 0 : i32
      %cond3A_126 = arith.cmpi ne, %convert_element_type3A_124, %cond3A_125 : i32
      scf.if %cond3A_126 {
        %dma_wait3A_470 = arith.constant 0 : i32
        %dma_wait3A_471 = tpu.memref_slice %arg4[%mul3A_5, %dma_wait3A_470] : memref<819200x128xf32, #tpu.memory_space<hbm>> -> memref<128x128xf32, #tpu.memory_space<hbm>>
        %dma_wait3A_472 = arith.constant 0 : i32
        %dma_wait3A_473 = tpu.memref_slice %arg4[%mul3A_5, %dma_wait3A_472] : memref<819200x128xf32, #tpu.memory_space<hbm>> -> memref<128x128xf32, #tpu.memory_space<hbm>>
        tpu.wait_dma2 semaphore(%arg12 : memref<!tpu.dma_semaphore, #tpu.memory_space<semaphore_mem>>) src(%arg7 : memref<128x128xf32, #tpu.memory_space<vmem>>) dst(%dma_wait3A_473 : memref<128x128xf32, #tpu.memory_space<hbm>>)
        %sub3A = arith.constant 5 : i32
        %sub3A_474 = arith.subi %add3A_121, %sub3A : i32
        %add3A_475 = arith.constant 0 : i32
        %add3A_476 = vector.broadcast %add3A_475 : i32 to vector<16xi32>
        %add3A_477 = arith.addi %iota3A, %add3A_476 : vector<16xi32>
        %mul3A_478 = arith.constant 128 : i32
        %mul3A_479 = arith.muli %sub3A_474, %mul3A_478 : i32
        %add3A_480 = arith.constant 0 : i32
        %add3A_481 = arith.addi %mul3A_479, %add3A_480 : i32
        %get3A_482 = arith.index_cast %add3A_481 : i32 to index
        %get3A_483 = tpu.vector_load %arg5[%get3A_482] {strides = array<i32>} : memref<25600xi32, #tpu.memory_space<vmem>>, vector<16xi32>,
        tpu.vector_store_idx %arg7[%add3A_477, %get3A_483], %broadcast_in_dim3A_3 : memref<128x128xf32, #tpu.memory_space<vmem>>[vector<16xi32>, vector<16xi32>], vector<16xf32>,
        %add3A_484 = arith.constant 16 : i32
        %add3A_485 = vector.broadcast %add3A_484 : i32 to vector<16xi32>
        %add3A_486 = arith.addi %iota3A, %add3A_485 : vector<16xi32>
        %mul3A_487 = arith.constant 128 : i32
        %mul3A_488 = arith.muli %sub3A_474, %mul3A_487 : i32
        %add3A_489 = arith.constant 16 : i32
        %add3A_490 = arith.addi %mul3A_488, %add3A_489 : i32
        %get3A_491 = arith.index_cast %add3A_490 : i32 to index
        %get3A_492 = tpu.vector_load %arg5[%get3A_491] {strides = array<i32>} : memref<25600xi32, #tpu.memory_space<vmem>>, vector<16xi32>,
        tpu.vector_store_idx %arg7[%add3A_486, %get3A_492], %broadcast_in_dim3A_3 : memref<128x128xf32, #tpu.memory_space<vmem>>[vector<16xi32>, vector<16xi32>], vector<16xf32>,
        %add3A_493 = arith.constant 32 : i32
        %add3A_494 = vector.broadcast %add3A_493 : i32 to vector<16xi32>
        %add3A_495 = arith.addi %iota3A, %add3A_494 : vector<16xi32>
        %mul3A_496 = arith.constant 128 : i32
        %mul3A_497 = arith.muli %sub3A_474, %mul3A_496 : i32
        %add3A_498 = arith.constant 32 : i32
        %add3A_499 = arith.addi %mul3A_497, %add3A_498 : i32
        %get3A_500 = arith.index_cast %add3A_499 : i32 to index
        %get3A_501 = tpu.vector_load %arg5[%get3A_500] {strides = array<i32>} : memref<25600xi32, #tpu.memory_space<vmem>>, vector<16xi32>,
        tpu.vector_store_idx %arg7[%add3A_495, %get3A_501], %broadcast_in_dim3A_3 : memref<128x128xf32, #tpu.memory_space<vmem>>[vector<16xi32>, vector<16xi32>], vector<16xf32>,
        %add3A_502 = arith.constant 48 : i32
        %add3A_503 = vector.broadcast %add3A_502 : i32 to vector<16xi32>
        %add3A_504 = arith.addi %iota3A, %add3A_503 : vector<16xi32>
        %mul3A_505 = arith.constant 128 : i32
        %mul3A_506 = arith.muli %sub3A_474, %mul3A_505 : i32
        %add3A_507 = arith.constant 48 : i32
        %add3A_508 = arith.addi %mul3A_506, %add3A_507 : i32
        %get3A_509 = arith.index_cast %add3A_508 : i32 to index
        %get3A_510 = tpu.vector_load %arg5[%get3A_509] {strides = array<i32>} : memref<25600xi32, #tpu.memory_space<vmem>>, vector<16xi32>,
        tpu.vector_store_idx %arg7[%add3A_504, %get3A_510], %broadcast_in_dim3A_3 : memref<128x128xf32, #tpu.memory_space<vmem>>[vector<16xi32>, vector<16xi32>], vector<16xf32>,
        %add3A_511 = arith.constant 64 : i32
        %add3A_512 = vector.broadcast %add3A_511 : i32 to vector<16xi32>
        %add3A_513 = arith.addi %iota3A, %add3A_512 : vector<16xi32>
        %mul3A_514 = arith.constant 128 : i32
        %mul3A_515 = arith.muli %sub3A_474, %mul3A_514 : i32
        %add3A_516 = arith.constant 64 : i32
        %add3A_517 = arith.addi %mul3A_515, %add3A_516 : i32
        %get3A_518 = arith.index_cast %add3A_517 : i32 to index
        %get3A_519 = tpu.vector_load %arg5[%get3A_518] {strides = array<i32>} : memref<25600xi32, #tpu.memory_space<vmem>>, vector<16xi32>,
        tpu.vector_store_idx %arg7[%add3A_513, %get3A_519], %broadcast_in_dim3A_3 : memref<128x128xf32, #tpu.memory_space<vmem>>[vector<16xi32>, vector<16xi32>], vector<16xf32>,
        %add3A_520 = arith.constant 80 : i32
        %add3A_521 = vector.broadcast %add3A_520 : i32 to vector<16xi32>
        %add3A_522 = arith.addi %iota3A, %add3A_521 : vector<16xi32>
        %mul3A_523 = arith.constant 128 : i32
        %mul3A_524 = arith.muli %sub3A_474, %mul3A_523 : i32
        %add3A_525 = arith.constant 80 : i32
        %add3A_526 = arith.addi %mul3A_524, %add3A_525 : i32
        %get3A_527 = arith.index_cast %add3A_526 : i32 to index
        %get3A_528 = tpu.vector_load %arg5[%get3A_527] {strides = array<i32>} : memref<25600xi32, #tpu.memory_space<vmem>>, vector<16xi32>,
        tpu.vector_store_idx %arg7[%add3A_522, %get3A_528], %broadcast_in_dim3A_3 : memref<128x128xf32, #tpu.memory_space<vmem>>[vector<16xi32>, vector<16xi32>], vector<16xf32>,
        %add3A_529 = arith.constant 96 : i32
        %add3A_530 = vector.broadcast %add3A_529 : i32 to vector<16xi32>
        %add3A_531 = arith.addi %iota3A, %add3A_530 : vector<16xi32>
        %mul3A_532 = arith.constant 128 : i32
        %mul3A_533 = arith.muli %sub3A_474, %mul3A_532 : i32
        %add3A_534 = arith.constant 96 : i32
        %add3A_535 = arith.addi %mul3A_533, %add3A_534 : i32
        %get3A_536 = arith.index_cast %add3A_535 : i32 to index
        %get3A_537 = tpu.vector_load %arg5[%get3A_536] {strides = array<i32>} : memref<25600xi32, #tpu.memory_space<vmem>>, vector<16xi32>,
        tpu.vector_store_idx %arg7[%add3A_531, %get3A_537], %broadcast_in_dim3A_3 : memref<128x128xf32, #tpu.memory_space<vmem>>[vector<16xi32>, vector<16xi32>], vector<16xf32>,
        %add3A_538 = arith.constant 112 : i32
        %add3A_539 = vector.broadcast %add3A_538 : i32 to vector<16xi32>
        %add3A_540 = arith.addi %iota3A, %add3A_539 : vector<16xi32>
        %mul3A_541 = arith.constant 128 : i32
        %mul3A_542 = arith.muli %sub3A_474, %mul3A_541 : i32
        %add3A_543 = arith.constant 112 : i32
        %add3A_544 = arith.addi %mul3A_542, %add3A_543 : i32
        %get3A_545 = arith.index_cast %add3A_544 : i32 to index
        %get3A_546 = tpu.vector_load %arg5[%get3A_545] {strides = array<i32>} : memref<25600xi32, #tpu.memory_space<vmem>>, vector<16xi32>,
        tpu.vector_store_idx %arg7[%add3A_540, %get3A_546], %broadcast_in_dim3A_3 : memref<128x128xf32, #tpu.memory_space<vmem>>[vector<16xi32>, vector<16xi32>], vector<16xf32>,
      } else {
      }
      %add3A_127 = arith.constant 0 : i32
      %add3A_128 = vector.broadcast %add3A_127 : i32 to vector<16xi32>
      %add3A_129 = arith.addi %iota3A, %add3A_128 : vector<16xi32>
      %mul3A_130 = arith.constant 128 : i32
      %mul3A_131 = arith.muli %add3A_121, %mul3A_130 : i32
      %add3A_132 = arith.constant 0 : i32
      %add3A_133 = arith.addi %mul3A_131, %add3A_132 : i32
      %get3A_134 = arith.index_cast %add3A_133 : i32 to index
      %get3A_135 = tpu.vector_load %arg5[%get3A_134] {strides = array<i32>} : memref<25600xi32, #tpu.memory_space<vmem>>, vector<16xi32>,
      tpu.vector_store_idx %arg7[%add3A_129, %get3A_135], %broadcast_in_dim3A_1 : memref<128x128xf32, #tpu.memory_space<vmem>>[vector<16xi32>, vector<16xi32>], vector<16xf32>,
      %add3A_136 = arith.constant 16 : i32
      %add3A_137 = vector.broadcast %add3A_136 : i32 to vector<16xi32>
      %add3A_138 = arith.addi %iota3A, %add3A_137 : vector<16xi32>
      %mul3A_139 = arith.constant 128 : i32
      %mul3A_140 = arith.muli %add3A_121, %mul3A_139 : i32
      %add3A_141 = arith.constant 16 : i32
      %add3A_142 = arith.addi %mul3A_140, %add3A_141 : i32
      %get3A_143 = arith.index_cast %add3A_142 : i32 to index
      %get3A_144 = tpu.vector_load %arg5[%get3A_143] {strides = array<i32>} : memref<25600xi32, #tpu.memory_space<vmem>>, vector<16xi32>,
      tpu.vector_store_idx %arg7[%add3A_138, %get3A_144], %broadcast_in_dim3A_1 : memref<128x128xf32, #tpu.memory_space<vmem>>[vector<16xi32>, vector<16xi32>], vector<16xf32>,
      %add3A_145 = arith.constant 32 : i32
      %add3A_146 = vector.broadcast %add3A_145 : i32 to vector<16xi32>
      %add3A_147 = arith.addi %iota3A, %add3A_146 : vector<16xi32>
      %mul3A_148 = arith.constant 128 : i32
      %mul3A_149 = arith.muli %add3A_121, %mul3A_148 : i32
      %add3A_150 = arith.constant 32 : i32
      %add3A_151 = arith.addi %mul3A_149, %add3A_150 : i32
      %get3A_152 = arith.index_cast %add3A_151 : i32 to index
      %get3A_153 = tpu.vector_load %arg5[%get3A_152] {strides = array<i32>} : memref<25600xi32, #tpu.memory_space<vmem>>, vector<16xi32>,
      tpu.vector_store_idx %arg7[%add3A_147, %get3A_153], %broadcast_in_dim3A_1 : memref<128x128xf32, #tpu.memory_space<vmem>>[vector<16xi32>, vector<16xi32>], vector<16xf32>,
      %add3A_154 = arith.constant 48 : i32
      %add3A_155 = vector.broadcast %add3A_154 : i32 to vector<16xi32>
      %add3A_156 = arith.addi %iota3A, %add3A_155 : vector<16xi32>
      %mul3A_157 = arith.constant 128 : i32
      %mul3A_158 = arith.muli %add3A_121, %mul3A_157 : i32
      %add3A_159 = arith.constant 48 : i32
      %add3A_160 = arith.addi %mul3A_158, %add3A_159 : i32
      %get3A_161 = arith.index_cast %add3A_160 : i32 to index
      %get3A_162 = tpu.vector_load %arg5[%get3A_161] {strides = array<i32>} : memref<25600xi32, #tpu.memory_space<vmem>>, vector<16xi32>,
      tpu.vector_store_idx %arg7[%add3A_156, %get3A_162], %broadcast_in_dim3A_1 : memref<128x128xf32, #tpu.memory_space<vmem>>[vector<16xi32>, vector<16xi32>], vector<16xf32>,
      %add3A_163 = arith.constant 64 : i32
      %add3A_164 = vector.broadcast %add3A_163 : i32 to vector<16xi32>
      %add3A_165 = arith.addi %iota3A, %add3A_164 : vector<16xi32>
      %mul3A_166 = arith.constant 128 : i32
      %mul3A_167 = arith.muli %add3A_121, %mul3A_166 : i32
      %add3A_168 = arith.constant 64 : i32
      %add3A_169 = arith.addi %mul3A_167, %add3A_168 : i32
      %get3A_170 = arith.index_cast %add3A_169 : i32 to index
      %get3A_171 = tpu.vector_load %arg5[%get3A_170] {strides = array<i32>} : memref<25600xi32, #tpu.memory_space<vmem>>, vector<16xi32>,
      tpu.vector_store_idx %arg7[%add3A_165, %get3A_171], %broadcast_in_dim3A_1 : memref<128x128xf32, #tpu.memory_space<vmem>>[vector<16xi32>, vector<16xi32>], vector<16xf32>,
      %add3A_172 = arith.constant 80 : i32
      %add3A_173 = vector.broadcast %add3A_172 : i32 to vector<16xi32>
      %add3A_174 = arith.addi %iota3A, %add3A_173 : vector<16xi32>
      %mul3A_175 = arith.constant 128 : i32
      %mul3A_176 = arith.muli %add3A_121, %mul3A_175 : i32
      %add3A_177 = arith.constant 80 : i32
      %add3A_178 = arith.addi %mul3A_176, %add3A_177 : i32
      %get3A_179 = arith.index_cast %add3A_178 : i32 to index
      %get3A_180 = tpu.vector_load %arg5[%get3A_179] {strides = array<i32>} : memref<25600xi32, #tpu.memory_space<vmem>>, vector<16xi32>,
      tpu.vector_store_idx %arg7[%add3A_174, %get3A_180], %broadcast_in_dim3A_1 : memref<128x128xf32, #tpu.memory_space<vmem>>[vector<16xi32>, vector<16xi32>], vector<16xf32>,
      %add3A_181 = arith.constant 96 : i32
      %add3A_182 = vector.broadcast %add3A_181 : i32 to vector<16xi32>
      %add3A_183 = arith.addi %iota3A, %add3A_182 : vector<16xi32>
      %mul3A_184 = arith.constant 128 : i32
      %mul3A_185 = arith.muli %add3A_121, %mul3A_184 : i32
      %add3A_186 = arith.constant 96 : i32
      %add3A_187 = arith.addi %mul3A_185, %add3A_186 : i32
      %get3A_188 = arith.index_cast %add3A_187 : i32 to index
      %get3A_189 = tpu.vector_load %arg5[%get3A_188] {strides = array<i32>} : memref<25600xi32, #tpu.memory_space<vmem>>, vector<16xi32>,
      tpu.vector_store_idx %arg7[%add3A_183, %get3A_189], %broadcast_in_dim3A_1 : memref<128x128xf32, #tpu.memory_space<vmem>>[vector<16xi32>, vector<16xi32>], vector<16xf32>,
      %add3A_190 = arith.constant 112 : i32
      %add3A_191 = vector.broadcast %add3A_190 : i32 to vector<16xi32>
      %add3A_192 = arith.addi %iota3A, %add3A_191 : vector<16xi32>
      %mul3A_193 = arith.constant 128 : i32
      %mul3A_194 = arith.muli %add3A_121, %mul3A_193 : i32
      %add3A_195 = arith.constant 112 : i32
      %add3A_196 = arith.addi %mul3A_194, %add3A_195 : i32
      %get3A_197 = arith.index_cast %add3A_196 : i32 to index
      %get3A_198 = tpu.vector_load %arg5[%get3A_197] {strides = array<i32>} : memref<25600xi32, #tpu.memory_space<vmem>>, vector<16xi32>,
      tpu.vector_store_idx %arg7[%add3A_192, %get3A_198], %broadcast_in_dim3A_1 : memref<128x128xf32, #tpu.memory_space<vmem>>[vector<16xi32>, vector<16xi32>], vector<16xf32>,
      %mul3A_199 = arith.constant 128 : i32
      %mul3A_200 = arith.muli %add3A_121, %mul3A_199 : i32
      %add3A_201 = arith.addi %mul3A_5, %mul3A_200 : i32
      %dma_start3A_202 = arith.constant 0 : i32
      %dma_start3A_203 = tpu.memref_slice %arg4[%add3A_201, %dma_start3A_202] : memref<819200x128xf32, #tpu.memory_space<hbm>> -> memref<128x128xf32, #tpu.memory_space<hbm>>
      %dma_start3A_204 = arith.constant 0 : i32
      %dma_start3A_205 = tpu.memref_slice %arg4[%add3A_201, %dma_start3A_204] : memref<819200x128xf32, #tpu.memory_space<hbm>> -> memref<128x128xf32, #tpu.memory_space<hbm>>
      tpu.enqueue_dma source(%arg7 : memref<128x128xf32, #tpu.memory_space<vmem>>) target(%dma_start3A_205 : memref<128x128xf32, #tpu.memory_space<hbm>>) target_semaphore(%arg12 : memref<!tpu.dma_semaphore, #tpu.memory_space<semaphore_mem>>)
      %mul3A_206 = arith.constant 5 : i32
      %mul3A_207 = arith.muli %scan3A_33, %mul3A_206 : i32
      %add3A_208 = arith.constant 2 : i32
      %add3A_209 = arith.addi %mul3A_207, %add3A_208 : i32
      %gt3A_210 = arith.constant 0 : i32
      %gt3A_211 = arith.cmpi sgt, %scan3A_33, %gt3A_210 : i32
      %convert_element_type3A_212 = arith.extui %gt3A_211 : i1 to i32
      %cond3A_213 = arith.constant 0 : i32
      %cond3A_214 = arith.cmpi ne, %convert_element_type3A_212, %cond3A_213 : i32
      scf.if %cond3A_214 {
        %dma_wait3A_470 = arith.constant 0 : i32
        %dma_wait3A_471 = tpu.memref_slice %arg4[%mul3A_5, %dma_wait3A_470] : memref<819200x128xf32, #tpu.memory_space<hbm>> -> memref<128x128xf32, #tpu.memory_space<hbm>>
        %dma_wait3A_472 = arith.constant 0 : i32
        %dma_wait3A_473 = tpu.memref_slice %arg4[%mul3A_5, %dma_wait3A_472] : memref<819200x128xf32, #tpu.memory_space<hbm>> -> memref<128x128xf32, #tpu.memory_space<hbm>>
        tpu.wait_dma2 semaphore(%arg13 : memref<!tpu.dma_semaphore, #tpu.memory_space<semaphore_mem>>) src(%arg8 : memref<128x128xf32, #tpu.memory_space<vmem>>) dst(%dma_wait3A_473 : memref<128x128xf32, #tpu.memory_space<hbm>>)
        %sub3A = arith.constant 5 : i32
        %sub3A_474 = arith.subi %add3A_209, %sub3A : i32
        %add3A_475 = arith.constant 0 : i32
        %add3A_476 = vector.broadcast %add3A_475 : i32 to vector<16xi32>
        %add3A_477 = arith.addi %iota3A, %add3A_476 : vector<16xi32>
        %mul3A_478 = arith.constant 128 : i32
        %mul3A_479 = arith.muli %sub3A_474, %mul3A_478 : i32
        %add3A_480 = arith.constant 0 : i32
        %add3A_481 = arith.addi %mul3A_479, %add3A_480 : i32
        %get3A_482 = arith.index_cast %add3A_481 : i32 to index
        %get3A_483 = tpu.vector_load %arg5[%get3A_482] {strides = array<i32>} : memref<25600xi32, #tpu.memory_space<vmem>>, vector<16xi32>,
        tpu.vector_store_idx %arg8[%add3A_477, %get3A_483], %broadcast_in_dim3A_3 : memref<128x128xf32, #tpu.memory_space<vmem>>[vector<16xi32>, vector<16xi32>], vector<16xf32>,
        %add3A_484 = arith.constant 16 : i32
        %add3A_485 = vector.broadcast %add3A_484 : i32 to vector<16xi32>
        %add3A_486 = arith.addi %iota3A, %add3A_485 : vector<16xi32>
        %mul3A_487 = arith.constant 128 : i32
        %mul3A_488 = arith.muli %sub3A_474, %mul3A_487 : i32
        %add3A_489 = arith.constant 16 : i32
        %add3A_490 = arith.addi %mul3A_488, %add3A_489 : i32
        %get3A_491 = arith.index_cast %add3A_490 : i32 to index
        %get3A_492 = tpu.vector_load %arg5[%get3A_491] {strides = array<i32>} : memref<25600xi32, #tpu.memory_space<vmem>>, vector<16xi32>,
        tpu.vector_store_idx %arg8[%add3A_486, %get3A_492], %broadcast_in_dim3A_3 : memref<128x128xf32, #tpu.memory_space<vmem>>[vector<16xi32>, vector<16xi32>], vector<16xf32>,
        %add3A_493 = arith.constant 32 : i32
        %add3A_494 = vector.broadcast %add3A_493 : i32 to vector<16xi32>
        %add3A_495 = arith.addi %iota3A, %add3A_494 : vector<16xi32>
        %mul3A_496 = arith.constant 128 : i32
        %mul3A_497 = arith.muli %sub3A_474, %mul3A_496 : i32
        %add3A_498 = arith.constant 32 : i32
        %add3A_499 = arith.addi %mul3A_497, %add3A_498 : i32
        %get3A_500 = arith.index_cast %add3A_499 : i32 to index
        %get3A_501 = tpu.vector_load %arg5[%get3A_500] {strides = array<i32>} : memref<25600xi32, #tpu.memory_space<vmem>>, vector<16xi32>,
        tpu.vector_store_idx %arg8[%add3A_495, %get3A_501], %broadcast_in_dim3A_3 : memref<128x128xf32, #tpu.memory_space<vmem>>[vector<16xi32>, vector<16xi32>], vector<16xf32>,
        %add3A_502 = arith.constant 48 : i32
        %add3A_503 = vector.broadcast %add3A_502 : i32 to vector<16xi32>
        %add3A_504 = arith.addi %iota3A, %add3A_503 : vector<16xi32>
        %mul3A_505 = arith.constant 128 : i32
        %mul3A_506 = arith.muli %sub3A_474, %mul3A_505 : i32
        %add3A_507 = arith.constant 48 : i32
        %add3A_508 = arith.addi %mul3A_506, %add3A_507 : i32
        %get3A_509 = arith.index_cast %add3A_508 : i32 to index
        %get3A_510 = tpu.vector_load %arg5[%get3A_509] {strides = array<i32>} : memref<25600xi32, #tpu.memory_space<vmem>>, vector<16xi32>,
        tpu.vector_store_idx %arg8[%add3A_504, %get3A_510], %broadcast_in_dim3A_3 : memref<128x128xf32, #tpu.memory_space<vmem>>[vector<16xi32>, vector<16xi32>], vector<16xf32>,
        %add3A_511 = arith.constant 64 : i32
        %add3A_512 = vector.broadcast %add3A_511 : i32 to vector<16xi32>
        %add3A_513 = arith.addi %iota3A, %add3A_512 : vector<16xi32>
        %mul3A_514 = arith.constant 128 : i32
        %mul3A_515 = arith.muli %sub3A_474, %mul3A_514 : i32
        %add3A_516 = arith.constant 64 : i32
        %add3A_517 = arith.addi %mul3A_515, %add3A_516 : i32
        %get3A_518 = arith.index_cast %add3A_517 : i32 to index
        %get3A_519 = tpu.vector_load %arg5[%get3A_518] {strides = array<i32>} : memref<25600xi32, #tpu.memory_space<vmem>>, vector<16xi32>,
        tpu.vector_store_idx %arg8[%add3A_513, %get3A_519], %broadcast_in_dim3A_3 : memref<128x128xf32, #tpu.memory_space<vmem>>[vector<16xi32>, vector<16xi32>], vector<16xf32>,
        %add3A_520 = arith.constant 80 : i32
        %add3A_521 = vector.broadcast %add3A_520 : i32 to vector<16xi32>
        %add3A_522 = arith.addi %iota3A, %add3A_521 : vector<16xi32>
        %mul3A_523 = arith.constant 128 : i32
        %mul3A_524 = arith.muli %sub3A_474, %mul3A_523 : i32
        %add3A_525 = arith.constant 80 : i32
        %add3A_526 = arith.addi %mul3A_524, %add3A_525 : i32
        %get3A_527 = arith.index_cast %add3A_526 : i32 to index
        %get3A_528 = tpu.vector_load %arg5[%get3A_527] {strides = array<i32>} : memref<25600xi32, #tpu.memory_space<vmem>>, vector<16xi32>,
        tpu.vector_store_idx %arg8[%add3A_522, %get3A_528], %broadcast_in_dim3A_3 : memref<128x128xf32, #tpu.memory_space<vmem>>[vector<16xi32>, vector<16xi32>], vector<16xf32>,
        %add3A_529 = arith.constant 96 : i32
        %add3A_530 = vector.broadcast %add3A_529 : i32 to vector<16xi32>
        %add3A_531 = arith.addi %iota3A, %add3A_530 : vector<16xi32>
        %mul3A_532 = arith.constant 128 : i32
        %mul3A_533 = arith.muli %sub3A_474, %mul3A_532 : i32
        %add3A_534 = arith.constant 96 : i32
        %add3A_535 = arith.addi %mul3A_533, %add3A_534 : i32
        %get3A_536 = arith.index_cast %add3A_535 : i32 to index
        %get3A_537 = tpu.vector_load %arg5[%get3A_536] {strides = array<i32>} : memref<25600xi32, #tpu.memory_space<vmem>>, vector<16xi32>,
        tpu.vector_store_idx %arg8[%add3A_531, %get3A_537], %broadcast_in_dim3A_3 : memref<128x128xf32, #tpu.memory_space<vmem>>[vector<16xi32>, vector<16xi32>], vector<16xf32>,
        %add3A_538 = arith.constant 112 : i32
        %add3A_539 = vector.broadcast %add3A_538 : i32 to vector<16xi32>
        %add3A_540 = arith.addi %iota3A, %add3A_539 : vector<16xi32>
        %mul3A_541 = arith.constant 128 : i32
        %mul3A_542 = arith.muli %sub3A_474, %mul3A_541 : i32
        %add3A_543 = arith.constant 112 : i32
        %add3A_544 = arith.addi %mul3A_542, %add3A_543 : i32
        %get3A_545 = arith.index_cast %add3A_544 : i32 to index
        %get3A_546 = tpu.vector_load %arg5[%get3A_545] {strides = array<i32>} : memref<25600xi32, #tpu.memory_space<vmem>>, vector<16xi32>,
        tpu.vector_store_idx %arg8[%add3A_540, %get3A_546], %broadcast_in_dim3A_3 : memref<128x128xf32, #tpu.memory_space<vmem>>[vector<16xi32>, vector<16xi32>], vector<16xf32>,
      } else {
      }
      %add3A_215 = arith.constant 0 : i32
      %add3A_216 = vector.broadcast %add3A_215 : i32 to vector<16xi32>
      %add3A_217 = arith.addi %iota3A, %add3A_216 : vector<16xi32>
      %mul3A_218 = arith.constant 128 : i32
      %mul3A_219 = arith.muli %add3A_209, %mul3A_218 : i32
      %add3A_220 = arith.constant 0 : i32
      %add3A_221 = arith.addi %mul3A_219, %add3A_220 : i32
      %get3A_222 = arith.index_cast %add3A_221 : i32 to index
      %get3A_223 = tpu.vector_load %arg5[%get3A_222] {strides = array<i32>} : memref<25600xi32, #tpu.memory_space<vmem>>, vector<16xi32>,
      tpu.vector_store_idx %arg8[%add3A_217, %get3A_223], %broadcast_in_dim3A_1 : memref<128x128xf32, #tpu.memory_space<vmem>>[vector<16xi32>, vector<16xi32>], vector<16xf32>,
      %add3A_224 = arith.constant 16 : i32
      %add3A_225 = vector.broadcast %add3A_224 : i32 to vector<16xi32>
      %add3A_226 = arith.addi %iota3A, %add3A_225 : vector<16xi32>
      %mul3A_227 = arith.constant 128 : i32
      %mul3A_228 = arith.muli %add3A_209, %mul3A_227 : i32
      %add3A_229 = arith.constant 16 : i32
      %add3A_230 = arith.addi %mul3A_228, %add3A_229 : i32
      %get3A_231 = arith.index_cast %add3A_230 : i32 to index
      %get3A_232 = tpu.vector_load %arg5[%get3A_231] {strides = array<i32>} : memref<25600xi32, #tpu.memory_space<vmem>>, vector<16xi32>,
      tpu.vector_store_idx %arg8[%add3A_226, %get3A_232], %broadcast_in_dim3A_1 : memref<128x128xf32, #tpu.memory_space<vmem>>[vector<16xi32>, vector<16xi32>], vector<16xf32>,
      %add3A_233 = arith.constant 32 : i32
      %add3A_234 = vector.broadcast %add3A_233 : i32 to vector<16xi32>
      %add3A_235 = arith.addi %iota3A, %add3A_234 : vector<16xi32>
      %mul3A_236 = arith.constant 128 : i32
      %mul3A_237 = arith.muli %add3A_209, %mul3A_236 : i32
      %add3A_238 = arith.constant 32 : i32
      %add3A_239 = arith.addi %mul3A_237, %add3A_238 : i32
      %get3A_240 = arith.index_cast %add3A_239 : i32 to index
      %get3A_241 = tpu.vector_load %arg5[%get3A_240] {strides = array<i32>} : memref<25600xi32, #tpu.memory_space<vmem>>, vector<16xi32>,
      tpu.vector_store_idx %arg8[%add3A_235, %get3A_241], %broadcast_in_dim3A_1 : memref<128x128xf32, #tpu.memory_space<vmem>>[vector<16xi32>, vector<16xi32>], vector<16xf32>,
      %add3A_242 = arith.constant 48 : i32
      %add3A_243 = vector.broadcast %add3A_242 : i32 to vector<16xi32>
      %add3A_244 = arith.addi %iota3A, %add3A_243 : vector<16xi32>
      %mul3A_245 = arith.constant 128 : i32
      %mul3A_246 = arith.muli %add3A_209, %mul3A_245 : i32
      %add3A_247 = arith.constant 48 : i32
      %add3A_248 = arith.addi %mul3A_246, %add3A_247 : i32
      %get3A_249 = arith.index_cast %add3A_248 : i32 to index
      %get3A_250 = tpu.vector_load %arg5[%get3A_249] {strides = array<i32>} : memref<25600xi32, #tpu.memory_space<vmem>>, vector<16xi32>,
      tpu.vector_store_idx %arg8[%add3A_244, %get3A_250], %broadcast_in_dim3A_1 : memref<128x128xf32, #tpu.memory_space<vmem>>[vector<16xi32>, vector<16xi32>], vector<16xf32>,
      %add3A_251 = arith.constant 64 : i32
      %add3A_252 = vector.broadcast %add3A_251 : i32 to vector<16xi32>
      %add3A_253 = arith.addi %iota3A, %add3A_252 : vector<16xi32>
      %mul3A_254 = arith.constant 128 : i32
      %mul3A_255 = arith.muli %add3A_209, %mul3A_254 : i32
      %add3A_256 = arith.constant 64 : i32
      %add3A_257 = arith.addi %mul3A_255, %add3A_256 : i32
      %get3A_258 = arith.index_cast %add3A_257 : i32 to index
      %get3A_259 = tpu.vector_load %arg5[%get3A_258] {strides = array<i32>} : memref<25600xi32, #tpu.memory_space<vmem>>, vector<16xi32>,
      tpu.vector_store_idx %arg8[%add3A_253, %get3A_259], %broadcast_in_dim3A_1 : memref<128x128xf32, #tpu.memory_space<vmem>>[vector<16xi32>, vector<16xi32>], vector<16xf32>,
      %add3A_260 = arith.constant 80 : i32
      %add3A_261 = vector.broadcast %add3A_260 : i32 to vector<16xi32>
      %add3A_262 = arith.addi %iota3A, %add3A_261 : vector<16xi32>
      %mul3A_263 = arith.constant 128 : i32
      %mul3A_264 = arith.muli %add3A_209, %mul3A_263 : i32
      %add3A_265 = arith.constant 80 : i32
      %add3A_266 = arith.addi %mul3A_264, %add3A_265 : i32
      %get3A_267 = arith.index_cast %add3A_266 : i32 to index
      %get3A_268 = tpu.vector_load %arg5[%get3A_267] {strides = array<i32>} : memref<25600xi32, #tpu.memory_space<vmem>>, vector<16xi32>,
      tpu.vector_store_idx %arg8[%add3A_262, %get3A_268], %broadcast_in_dim3A_1 : memref<128x128xf32, #tpu.memory_space<vmem>>[vector<16xi32>, vector<16xi32>], vector<16xf32>,
      %add3A_269 = arith.constant 96 : i32
      %add3A_270 = vector.broadcast %add3A_269 : i32 to vector<16xi32>
      %add3A_271 = arith.addi %iota3A, %add3A_270 : vector<16xi32>
      %mul3A_272 = arith.constant 128 : i32
      %mul3A_273 = arith.muli %add3A_209, %mul3A_272 : i32
      %add3A_274 = arith.constant 96 : i32
      %add3A_275 = arith.addi %mul3A_273, %add3A_274 : i32
      %get3A_276 = arith.index_cast %add3A_275 : i32 to index
      %get3A_277 = tpu.vector_load %arg5[%get3A_276] {strides = array<i32>} : memref<25600xi32, #tpu.memory_space<vmem>>, vector<16xi32>,
      tpu.vector_store_idx %arg8[%add3A_271, %get3A_277], %broadcast_in_dim3A_1 : memref<128x128xf32, #tpu.memory_space<vmem>>[vector<16xi32>, vector<16xi32>], vector<16xf32>,
      %add3A_278 = arith.constant 112 : i32
      %add3A_279 = vector.broadcast %add3A_278 : i32 to vector<16xi32>
      %add3A_280 = arith.addi %iota3A, %add3A_279 : vector<16xi32>
      %mul3A_281 = arith.constant 128 : i32
      %mul3A_282 = arith.muli %add3A_209, %mul3A_281 : i32
      %add3A_283 = arith.constant 112 : i32
      %add3A_284 = arith.addi %mul3A_282, %add3A_283 : i32
      %get3A_285 = arith.index_cast %add3A_284 : i32 to index
      %get3A_286 = tpu.vector_load %arg5[%get3A_285] {strides = array<i32>} : memref<25600xi32, #tpu.memory_space<vmem>>, vector<16xi32>,
      tpu.vector_store_idx %arg8[%add3A_280, %get3A_286], %broadcast_in_dim3A_1 : memref<128x128xf32, #tpu.memory_space<vmem>>[vector<16xi32>, vector<16xi32>], vector<16xf32>,
      %mul3A_287 = arith.constant 128 : i32
      %mul3A_288 = arith.muli %add3A_209, %mul3A_287 : i32
      %add3A_289 = arith.addi %mul3A_5, %mul3A_288 : i32
      %dma_start3A_290 = arith.constant 0 : i32
      %dma_start3A_291 = tpu.memref_slice %arg4[%add3A_289, %dma_start3A_290] : memref<819200x128xf32, #tpu.memory_space<hbm>> -> memref<128x128xf32, #tpu.memory_space<hbm>>
      %dma_start3A_292 = arith.constant 0 : i32
      %dma_start3A_293 = tpu.memref_slice %arg4[%add3A_289, %dma_start3A_292] : memref<819200x128xf32, #tpu.memory_space<hbm>> -> memref<128x128xf32, #tpu.memory_space<hbm>>
      tpu.enqueue_dma source(%arg8 : memref<128x128xf32, #tpu.memory_space<vmem>>) target(%dma_start3A_293 : memref<128x128xf32, #tpu.memory_space<hbm>>) target_semaphore(%arg13 : memref<!tpu.dma_semaphore, #tpu.memory_space<semaphore_mem>>)
      %mul3A_294 = arith.constant 5 : i32
      %mul3A_295 = arith.muli %scan3A_33, %mul3A_294 : i32
      %add3A_296 = arith.constant 3 : i32
      %add3A_297 = arith.addi %mul3A_295, %add3A_296 : i32
      %gt3A_298 = arith.constant 0 : i32
      %gt3A_299 = arith.cmpi sgt, %scan3A_33, %gt3A_298 : i32
      %convert_element_type3A_300 = arith.extui %gt3A_299 : i1 to i32
      %cond3A_301 = arith.constant 0 : i32
      %cond3A_302 = arith.cmpi ne, %convert_element_type3A_300, %cond3A_301 : i32
      scf.if %cond3A_302 {
        %dma_wait3A_470 = arith.constant 0 : i32
        %dma_wait3A_471 = tpu.memref_slice %arg4[%mul3A_5, %dma_wait3A_470] : memref<819200x128xf32, #tpu.memory_space<hbm>> -> memref<128x128xf32, #tpu.memory_space<hbm>>
        %dma_wait3A_472 = arith.constant 0 : i32
        %dma_wait3A_473 = tpu.memref_slice %arg4[%mul3A_5, %dma_wait3A_472] : memref<819200x128xf32, #tpu.memory_space<hbm>> -> memref<128x128xf32, #tpu.memory_space<hbm>>
        tpu.wait_dma2 semaphore(%arg14 : memref<!tpu.dma_semaphore, #tpu.memory_space<semaphore_mem>>) src(%arg9 : memref<128x128xf32, #tpu.memory_space<vmem>>) dst(%dma_wait3A_473 : memref<128x128xf32, #tpu.memory_space<hbm>>)
        %sub3A = arith.constant 5 : i32
        %sub3A_474 = arith.subi %add3A_297, %sub3A : i32
        %add3A_475 = arith.constant 0 : i32
        %add3A_476 = vector.broadcast %add3A_475 : i32 to vector<16xi32>
        %add3A_477 = arith.addi %iota3A, %add3A_476 : vector<16xi32>
        %mul3A_478 = arith.constant 128 : i32
        %mul3A_479 = arith.muli %sub3A_474, %mul3A_478 : i32
        %add3A_480 = arith.constant 0 : i32
        %add3A_481 = arith.addi %mul3A_479, %add3A_480 : i32
        %get3A_482 = arith.index_cast %add3A_481 : i32 to index
        %get3A_483 = tpu.vector_load %arg5[%get3A_482] {strides = array<i32>} : memref<25600xi32, #tpu.memory_space<vmem>>, vector<16xi32>,
        tpu.vector_store_idx %arg9[%add3A_477, %get3A_483], %broadcast_in_dim3A_3 : memref<128x128xf32, #tpu.memory_space<vmem>>[vector<16xi32>, vector<16xi32>], vector<16xf32>,
        %add3A_484 = arith.constant 16 : i32
        %add3A_485 = vector.broadcast %add3A_484 : i32 to vector<16xi32>
        %add3A_486 = arith.addi %iota3A, %add3A_485 : vector<16xi32>
        %mul3A_487 = arith.constant 128 : i32
        %mul3A_488 = arith.muli %sub3A_474, %mul3A_487 : i32
        %add3A_489 = arith.constant 16 : i32
        %add3A_490 = arith.addi %mul3A_488, %add3A_489 : i32
        %get3A_491 = arith.index_cast %add3A_490 : i32 to index
        %get3A_492 = tpu.vector_load %arg5[%get3A_491] {strides = array<i32>} : memref<25600xi32, #tpu.memory_space<vmem>>, vector<16xi32>,
        tpu.vector_store_idx %arg9[%add3A_486, %get3A_492], %broadcast_in_dim3A_3 : memref<128x128xf32, #tpu.memory_space<vmem>>[vector<16xi32>, vector<16xi32>], vector<16xf32>,
        %add3A_493 = arith.constant 32 : i32
        %add3A_494 = vector.broadcast %add3A_493 : i32 to vector<16xi32>
        %add3A_495 = arith.addi %iota3A, %add3A_494 : vector<16xi32>
        %mul3A_496 = arith.constant 128 : i32
        %mul3A_497 = arith.muli %sub3A_474, %mul3A_496 : i32
        %add3A_498 = arith.constant 32 : i32
        %add3A_499 = arith.addi %mul3A_497, %add3A_498 : i32
        %get3A_500 = arith.index_cast %add3A_499 : i32 to index
        %get3A_501 = tpu.vector_load %arg5[%get3A_500] {strides = array<i32>} : memref<25600xi32, #tpu.memory_space<vmem>>, vector<16xi32>,
        tpu.vector_store_idx %arg9[%add3A_495, %get3A_501], %broadcast_in_dim3A_3 : memref<128x128xf32, #tpu.memory_space<vmem>>[vector<16xi32>, vector<16xi32>], vector<16xf32>,
        %add3A_502 = arith.constant 48 : i32
        %add3A_503 = vector.broadcast %add3A_502 : i32 to vector<16xi32>
        %add3A_504 = arith.addi %iota3A, %add3A_503 : vector<16xi32>
        %mul3A_505 = arith.constant 128 : i32
        %mul3A_506 = arith.muli %sub3A_474, %mul3A_505 : i32
        %add3A_507 = arith.constant 48 : i32
        %add3A_508 = arith.addi %mul3A_506, %add3A_507 : i32
        %get3A_509 = arith.index_cast %add3A_508 : i32 to index
        %get3A_510 = tpu.vector_load %arg5[%get3A_509] {strides = array<i32>} : memref<25600xi32, #tpu.memory_space<vmem>>, vector<16xi32>,
        tpu.vector_store_idx %arg9[%add3A_504, %get3A_510], %broadcast_in_dim3A_3 : memref<128x128xf32, #tpu.memory_space<vmem>>[vector<16xi32>, vector<16xi32>], vector<16xf32>,
        %add3A_511 = arith.constant 64 : i32
        %add3A_512 = vector.broadcast %add3A_511 : i32 to vector<16xi32>
        %add3A_513 = arith.addi %iota3A, %add3A_512 : vector<16xi32>
        %mul3A_514 = arith.constant 128 : i32
        %mul3A_515 = arith.muli %sub3A_474, %mul3A_514 : i32
        %add3A_516 = arith.constant 64 : i32
        %add3A_517 = arith.addi %mul3A_515, %add3A_516 : i32
        %get3A_518 = arith.index_cast %add3A_517 : i32 to index
        %get3A_519 = tpu.vector_load %arg5[%get3A_518] {strides = array<i32>} : memref<25600xi32, #tpu.memory_space<vmem>>, vector<16xi32>,
        tpu.vector_store_idx %arg9[%add3A_513, %get3A_519], %broadcast_in_dim3A_3 : memref<128x128xf32, #tpu.memory_space<vmem>>[vector<16xi32>, vector<16xi32>], vector<16xf32>,
        %add3A_520 = arith.constant 80 : i32
        %add3A_521 = vector.broadcast %add3A_520 : i32 to vector<16xi32>
        %add3A_522 = arith.addi %iota3A, %add3A_521 : vector<16xi32>
        %mul3A_523 = arith.constant 128 : i32
        %mul3A_524 = arith.muli %sub3A_474, %mul3A_523 : i32
        %add3A_525 = arith.constant 80 : i32
        %add3A_526 = arith.addi %mul3A_524, %add3A_525 : i32
        %get3A_527 = arith.index_cast %add3A_526 : i32 to index
        %get3A_528 = tpu.vector_load %arg5[%get3A_527] {strides = array<i32>} : memref<25600xi32, #tpu.memory_space<vmem>>, vector<16xi32>,
        tpu.vector_store_idx %arg9[%add3A_522, %get3A_528], %broadcast_in_dim3A_3 : memref<128x128xf32, #tpu.memory_space<vmem>>[vector<16xi32>, vector<16xi32>], vector<16xf32>,
        %add3A_529 = arith.constant 96 : i32
        %add3A_530 = vector.broadcast %add3A_529 : i32 to vector<16xi32>
        %add3A_531 = arith.addi %iota3A, %add3A_530 : vector<16xi32>
        %mul3A_532 = arith.constant 128 : i32
        %mul3A_533 = arith.muli %sub3A_474, %mul3A_532 : i32
        %add3A_534 = arith.constant 96 : i32
        %add3A_535 = arith.addi %mul3A_533, %add3A_534 : i32
        %get3A_536 = arith.index_cast %add3A_535 : i32 to index
        %get3A_537 = tpu.vector_load %arg5[%get3A_536] {strides = array<i32>} : memref<25600xi32, #tpu.memory_space<vmem>>, vector<16xi32>,
        tpu.vector_store_idx %arg9[%add3A_531, %get3A_537], %broadcast_in_dim3A_3 : memref<128x128xf32, #tpu.memory_space<vmem>>[vector<16xi32>, vector<16xi32>], vector<16xf32>,
        %add3A_538 = arith.constant 112 : i32
        %add3A_539 = vector.broadcast %add3A_538 : i32 to vector<16xi32>
        %add3A_540 = arith.addi %iota3A, %add3A_539 : vector<16xi32>
        %mul3A_541 = arith.constant 128 : i32
        %mul3A_542 = arith.muli %sub3A_474, %mul3A_541 : i32
        %add3A_543 = arith.constant 112 : i32
        %add3A_544 = arith.addi %mul3A_542, %add3A_543 : i32
        %get3A_545 = arith.index_cast %add3A_544 : i32 to index
        %get3A_546 = tpu.vector_load %arg5[%get3A_545] {strides = array<i32>} : memref<25600xi32, #tpu.memory_space<vmem>>, vector<16xi32>,
        tpu.vector_store_idx %arg9[%add3A_540, %get3A_546], %broadcast_in_dim3A_3 : memref<128x128xf32, #tpu.memory_space<vmem>>[vector<16xi32>, vector<16xi32>], vector<16xf32>,
      } else {
      }
      %add3A_303 = arith.constant 0 : i32
      %add3A_304 = vector.broadcast %add3A_303 : i32 to vector<16xi32>
      %add3A_305 = arith.addi %iota3A, %add3A_304 : vector<16xi32>
      %mul3A_306 = arith.constant 128 : i32
      %mul3A_307 = arith.muli %add3A_297, %mul3A_306 : i32
      %add3A_308 = arith.constant 0 : i32
      %add3A_309 = arith.addi %mul3A_307, %add3A_308 : i32
      %get3A_310 = arith.index_cast %add3A_309 : i32 to index
      %get3A_311 = tpu.vector_load %arg5[%get3A_310] {strides = array<i32>} : memref<25600xi32, #tpu.memory_space<vmem>>, vector<16xi32>,
      tpu.vector_store_idx %arg9[%add3A_305, %get3A_311], %broadcast_in_dim3A_1 : memref<128x128xf32, #tpu.memory_space<vmem>>[vector<16xi32>, vector<16xi32>], vector<16xf32>,
      %add3A_312 = arith.constant 16 : i32
      %add3A_313 = vector.broadcast %add3A_312 : i32 to vector<16xi32>
      %add3A_314 = arith.addi %iota3A, %add3A_313 : vector<16xi32>
      %mul3A_315 = arith.constant 128 : i32
      %mul3A_316 = arith.muli %add3A_297, %mul3A_315 : i32
      %add3A_317 = arith.constant 16 : i32
      %add3A_318 = arith.addi %mul3A_316, %add3A_317 : i32
      %get3A_319 = arith.index_cast %add3A_318 : i32 to index
      %get3A_320 = tpu.vector_load %arg5[%get3A_319] {strides = array<i32>} : memref<25600xi32, #tpu.memory_space<vmem>>, vector<16xi32>,
      tpu.vector_store_idx %arg9[%add3A_314, %get3A_320], %broadcast_in_dim3A_1 : memref<128x128xf32, #tpu.memory_space<vmem>>[vector<16xi32>, vector<16xi32>], vector<16xf32>,
      %add3A_321 = arith.constant 32 : i32
      %add3A_322 = vector.broadcast %add3A_321 : i32 to vector<16xi32>
      %add3A_323 = arith.addi %iota3A, %add3A_322 : vector<16xi32>
      %mul3A_324 = arith.constant 128 : i32
      %mul3A_325 = arith.muli %add3A_297, %mul3A_324 : i32
      %add3A_326 = arith.constant 32 : i32
      %add3A_327 = arith.addi %mul3A_325, %add3A_326 : i32
      %get3A_328 = arith.index_cast %add3A_327 : i32 to index
      %get3A_329 = tpu.vector_load %arg5[%get3A_328] {strides = array<i32>} : memref<25600xi32, #tpu.memory_space<vmem>>, vector<16xi32>,
      tpu.vector_store_idx %arg9[%add3A_323, %get3A_329], %broadcast_in_dim3A_1 : memref<128x128xf32, #tpu.memory_space<vmem>>[vector<16xi32>, vector<16xi32>], vector<16xf32>,
      %add3A_330 = arith.constant 48 : i32
      %add3A_331 = vector.broadcast %add3A_330 : i32 to vector<16xi32>
      %add3A_332 = arith.addi %iota3A, %add3A_331 : vector<16xi32>
      %mul3A_333 = arith.constant 128 : i32
      %mul3A_334 = arith.muli %add3A_297, %mul3A_333 : i32
      %add3A_335 = arith.constant 48 : i32
      %add3A_336 = arith.addi %mul3A_334, %add3A_335 : i32
      %get3A_337 = arith.index_cast %add3A_336 : i32 to index
      %get3A_338 = tpu.vector_load %arg5[%get3A_337] {strides = array<i32>} : memref<25600xi32, #tpu.memory_space<vmem>>, vector<16xi32>,
      tpu.vector_store_idx %arg9[%add3A_332, %get3A_338], %broadcast_in_dim3A_1 : memref<128x128xf32, #tpu.memory_space<vmem>>[vector<16xi32>, vector<16xi32>], vector<16xf32>,
      %add3A_339 = arith.constant 64 : i32
      %add3A_340 = vector.broadcast %add3A_339 : i32 to vector<16xi32>
      %add3A_341 = arith.addi %iota3A, %add3A_340 : vector<16xi32>
      %mul3A_342 = arith.constant 128 : i32
      %mul3A_343 = arith.muli %add3A_297, %mul3A_342 : i32
      %add3A_344 = arith.constant 64 : i32
      %add3A_345 = arith.addi %mul3A_343, %add3A_344 : i32
      %get3A_346 = arith.index_cast %add3A_345 : i32 to index
      %get3A_347 = tpu.vector_load %arg5[%get3A_346] {strides = array<i32>} : memref<25600xi32, #tpu.memory_space<vmem>>, vector<16xi32>,
      tpu.vector_store_idx %arg9[%add3A_341, %get3A_347], %broadcast_in_dim3A_1 : memref<128x128xf32, #tpu.memory_space<vmem>>[vector<16xi32>, vector<16xi32>], vector<16xf32>,
      %add3A_348 = arith.constant 80 : i32
      %add3A_349 = vector.broadcast %add3A_348 : i32 to vector<16xi32>
      %add3A_350 = arith.addi %iota3A, %add3A_349 : vector<16xi32>
      %mul3A_351 = arith.constant 128 : i32
      %mul3A_352 = arith.muli %add3A_297, %mul3A_351 : i32
      %add3A_353 = arith.constant 80 : i32
      %add3A_354 = arith.addi %mul3A_352, %add3A_353 : i32
      %get3A_355 = arith.index_cast %add3A_354 : i32 to index
      %get3A_356 = tpu.vector_load %arg5[%get3A_355] {strides = array<i32>} : memref<25600xi32, #tpu.memory_space<vmem>>, vector<16xi32>,
      tpu.vector_store_idx %arg9[%add3A_350, %get3A_356], %broadcast_in_dim3A_1 : memref<128x128xf32, #tpu.memory_space<vmem>>[vector<16xi32>, vector<16xi32>], vector<16xf32>,
      %add3A_357 = arith.constant 96 : i32
      %add3A_358 = vector.broadcast %add3A_357 : i32 to vector<16xi32>
      %add3A_359 = arith.addi %iota3A, %add3A_358 : vector<16xi32>
      %mul3A_360 = arith.constant 128 : i32
      %mul3A_361 = arith.muli %add3A_297, %mul3A_360 : i32
      %add3A_362 = arith.constant 96 : i32
      %add3A_363 = arith.addi %mul3A_361, %add3A_362 : i32
      %get3A_364 = arith.index_cast %add3A_363 : i32 to index
      %get3A_365 = tpu.vector_load %arg5[%get3A_364] {strides = array<i32>} : memref<25600xi32, #tpu.memory_space<vmem>>, vector<16xi32>,
      tpu.vector_store_idx %arg9[%add3A_359, %get3A_365], %broadcast_in_dim3A_1 : memref<128x128xf32, #tpu.memory_space<vmem>>[vector<16xi32>, vector<16xi32>], vector<16xf32>,
      %add3A_366 = arith.constant 112 : i32
      %add3A_367 = vector.broadcast %add3A_366 : i32 to vector<16xi32>
      %add3A_368 = arith.addi %iota3A, %add3A_367 : vector<16xi32>
      %mul3A_369 = arith.constant 128 : i32
      %mul3A_370 = arith.muli %add3A_297, %mul3A_369 : i32
      %add3A_371 = arith.constant 112 : i32
      %add3A_372 = arith.addi %mul3A_370, %add3A_371 : i32
      %get3A_373 = arith.index_cast %add3A_372 : i32 to index
      %get3A_374 = tpu.vector_load %arg5[%get3A_373] {strides = array<i32>} : memref<25600xi32, #tpu.memory_space<vmem>>, vector<16xi32>,
      tpu.vector_store_idx %arg9[%add3A_368, %get3A_374], %broadcast_in_dim3A_1 : memref<128x128xf32, #tpu.memory_space<vmem>>[vector<16xi32>, vector<16xi32>], vector<16xf32>,
      %mul3A_375 = arith.constant 128 : i32
      %mul3A_376 = arith.muli %add3A_297, %mul3A_375 : i32
      %add3A_377 = arith.addi %mul3A_5, %mul3A_376 : i32
      %dma_start3A_378 = arith.constant 0 : i32
      %dma_start3A_379 = tpu.memref_slice %arg4[%add3A_377, %dma_start3A_378] : memref<819200x128xf32, #tpu.memory_space<hbm>> -> memref<128x128xf32, #tpu.memory_space<hbm>>
      %dma_start3A_380 = arith.constant 0 : i32
      %dma_start3A_381 = tpu.memref_slice %arg4[%add3A_377, %dma_start3A_380] : memref<819200x128xf32, #tpu.memory_space<hbm>> -> memref<128x128xf32, #tpu.memory_space<hbm>>
      tpu.enqueue_dma source(%arg9 : memref<128x128xf32, #tpu.memory_space<vmem>>) target(%dma_start3A_381 : memref<128x128xf32, #tpu.memory_space<hbm>>) target_semaphore(%arg14 : memref<!tpu.dma_semaphore, #tpu.memory_space<semaphore_mem>>)
      %mul3A_382 = arith.constant 5 : i32
      %mul3A_383 = arith.muli %scan3A_33, %mul3A_382 : i32
      %add3A_384 = arith.constant 4 : i32
      %add3A_385 = arith.addi %mul3A_383, %add3A_384 : i32
      %gt3A_386 = arith.constant 0 : i32
      %gt3A_387 = arith.cmpi sgt, %scan3A_33, %gt3A_386 : i32
      %convert_element_type3A_388 = arith.extui %gt3A_387 : i1 to i32
      %cond3A_389 = arith.constant 0 : i32
      %cond3A_390 = arith.cmpi ne, %convert_element_type3A_388, %cond3A_389 : i32
      scf.if %cond3A_390 {
        %dma_wait3A_470 = arith.constant 0 : i32
        %dma_wait3A_471 = tpu.memref_slice %arg4[%mul3A_5, %dma_wait3A_470] : memref<819200x128xf32, #tpu.memory_space<hbm>> -> memref<128x128xf32, #tpu.memory_space<hbm>>
        %dma_wait3A_472 = arith.constant 0 : i32
        %dma_wait3A_473 = tpu.memref_slice %arg4[%mul3A_5, %dma_wait3A_472] : memref<819200x128xf32, #tpu.memory_space<hbm>> -> memref<128x128xf32, #tpu.memory_space<hbm>>
        tpu.wait_dma2 semaphore(%arg15 : memref<!tpu.dma_semaphore, #tpu.memory_space<semaphore_mem>>) src(%arg10 : memref<128x128xf32, #tpu.memory_space<vmem>>) dst(%dma_wait3A_473 : memref<128x128xf32, #tpu.memory_space<hbm>>)
        %sub3A = arith.constant 5 : i32
        %sub3A_474 = arith.subi %add3A_385, %sub3A : i32
        %add3A_475 = arith.constant 0 : i32
        %add3A_476 = vector.broadcast %add3A_475 : i32 to vector<16xi32>
        %add3A_477 = arith.addi %iota3A, %add3A_476 : vector<16xi32>
        %mul3A_478 = arith.constant 128 : i32
        %mul3A_479 = arith.muli %sub3A_474, %mul3A_478 : i32
        %add3A_480 = arith.constant 0 : i32
        %add3A_481 = arith.addi %mul3A_479, %add3A_480 : i32
        %get3A_482 = arith.index_cast %add3A_481 : i32 to index
        %get3A_483 = tpu.vector_load %arg5[%get3A_482] {strides = array<i32>} : memref<25600xi32, #tpu.memory_space<vmem>>, vector<16xi32>,
        tpu.vector_store_idx %arg10[%add3A_477, %get3A_483], %broadcast_in_dim3A_3 : memref<128x128xf32, #tpu.memory_space<vmem>>[vector<16xi32>, vector<16xi32>], vector<16xf32>,
        %add3A_484 = arith.constant 16 : i32
        %add3A_485 = vector.broadcast %add3A_484 : i32 to vector<16xi32>
        %add3A_486 = arith.addi %iota3A, %add3A_485 : vector<16xi32>
        %mul3A_487 = arith.constant 128 : i32
        %mul3A_488 = arith.muli %sub3A_474, %mul3A_487 : i32
        %add3A_489 = arith.constant 16 : i32
        %add3A_490 = arith.addi %mul3A_488, %add3A_489 : i32
        %get3A_491 = arith.index_cast %add3A_490 : i32 to index
        %get3A_492 = tpu.vector_load %arg5[%get3A_491] {strides = array<i32>} : memref<25600xi32, #tpu.memory_space<vmem>>, vector<16xi32>,
        tpu.vector_store_idx %arg10[%add3A_486, %get3A_492], %broadcast_in_dim3A_3 : memref<128x128xf32, #tpu.memory_space<vmem>>[vector<16xi32>, vector<16xi32>], vector<16xf32>,
        %add3A_493 = arith.constant 32 : i32
        %add3A_494 = vector.broadcast %add3A_493 : i32 to vector<16xi32>
        %add3A_495 = arith.addi %iota3A, %add3A_494 : vector<16xi32>
        %mul3A_496 = arith.constant 128 : i32
        %mul3A_497 = arith.muli %sub3A_474, %mul3A_496 : i32
        %add3A_498 = arith.constant 32 : i32
        %add3A_499 = arith.addi %mul3A_497, %add3A_498 : i32
        %get3A_500 = arith.index_cast %add3A_499 : i32 to index
        %get3A_501 = tpu.vector_load %arg5[%get3A_500] {strides = array<i32>} : memref<25600xi32, #tpu.memory_space<vmem>>, vector<16xi32>,
        tpu.vector_store_idx %arg10[%add3A_495, %get3A_501], %broadcast_in_dim3A_3 : memref<128x128xf32, #tpu.memory_space<vmem>>[vector<16xi32>, vector<16xi32>], vector<16xf32>,
        %add3A_502 = arith.constant 48 : i32
        %add3A_503 = vector.broadcast %add3A_502 : i32 to vector<16xi32>
        %add3A_504 = arith.addi %iota3A, %add3A_503 : vector<16xi32>
        %mul3A_505 = arith.constant 128 : i32
        %mul3A_506 = arith.muli %sub3A_474, %mul3A_505 : i32
        %add3A_507 = arith.constant 48 : i32
        %add3A_508 = arith.addi %mul3A_506, %add3A_507 : i32
        %get3A_509 = arith.index_cast %add3A_508 : i32 to index
        %get3A_510 = tpu.vector_load %arg5[%get3A_509] {strides = array<i32>} : memref<25600xi32, #tpu.memory_space<vmem>>, vector<16xi32>,
        tpu.vector_store_idx %arg10[%add3A_504, %get3A_510], %broadcast_in_dim3A_3 : memref<128x128xf32, #tpu.memory_space<vmem>>[vector<16xi32>, vector<16xi32>], vector<16xf32>,
        %add3A_511 = arith.constant 64 : i32
        %add3A_512 = vector.broadcast %add3A_511 : i32 to vector<16xi32>
        %add3A_513 = arith.addi %iota3A, %add3A_512 : vector<16xi32>
        %mul3A_514 = arith.constant 128 : i32
        %mul3A_515 = arith.muli %sub3A_474, %mul3A_514 : i32
        %add3A_516 = arith.constant 64 : i32
        %add3A_517 = arith.addi %mul3A_515, %add3A_516 : i32
        %get3A_518 = arith.index_cast %add3A_517 : i32 to index
        %get3A_519 = tpu.vector_load %arg5[%get3A_518] {strides = array<i32>} : memref<25600xi32, #tpu.memory_space<vmem>>, vector<16xi32>,
        tpu.vector_store_idx %arg10[%add3A_513, %get3A_519], %broadcast_in_dim3A_3 : memref<128x128xf32, #tpu.memory_space<vmem>>[vector<16xi32>, vector<16xi32>], vector<16xf32>,
        %add3A_520 = arith.constant 80 : i32
        %add3A_521 = vector.broadcast %add3A_520 : i32 to vector<16xi32>
        %add3A_522 = arith.addi %iota3A, %add3A_521 : vector<16xi32>
        %mul3A_523 = arith.constant 128 : i32
        %mul3A_524 = arith.muli %sub3A_474, %mul3A_523 : i32
        %add3A_525 = arith.constant 80 : i32
        %add3A_526 = arith.addi %mul3A_524, %add3A_525 : i32
        %get3A_527 = arith.index_cast %add3A_526 : i32 to index
        %get3A_528 = tpu.vector_load %arg5[%get3A_527] {strides = array<i32>} : memref<25600xi32, #tpu.memory_space<vmem>>, vector<16xi32>,
        tpu.vector_store_idx %arg10[%add3A_522, %get3A_528], %broadcast_in_dim3A_3 : memref<128x128xf32, #tpu.memory_space<vmem>>[vector<16xi32>, vector<16xi32>], vector<16xf32>,
        %add3A_529 = arith.constant 96 : i32
        %add3A_530 = vector.broadcast %add3A_529 : i32 to vector<16xi32>
        %add3A_531 = arith.addi %iota3A, %add3A_530 : vector<16xi32>
        %mul3A_532 = arith.constant 128 : i32
        %mul3A_533 = arith.muli %sub3A_474, %mul3A_532 : i32
        %add3A_534 = arith.constant 96 : i32
        %add3A_535 = arith.addi %mul3A_533, %add3A_534 : i32
        %get3A_536 = arith.index_cast %add3A_535 : i32 to index
        %get3A_537 = tpu.vector_load %arg5[%get3A_536] {strides = array<i32>} : memref<25600xi32, #tpu.memory_space<vmem>>, vector<16xi32>,
        tpu.vector_store_idx %arg10[%add3A_531, %get3A_537], %broadcast_in_dim3A_3 : memref<128x128xf32, #tpu.memory_space<vmem>>[vector<16xi32>, vector<16xi32>], vector<16xf32>,
        %add3A_538 = arith.constant 112 : i32
        %add3A_539 = vector.broadcast %add3A_538 : i32 to vector<16xi32>
        %add3A_540 = arith.addi %iota3A, %add3A_539 : vector<16xi32>
        %mul3A_541 = arith.constant 128 : i32
        %mul3A_542 = arith.muli %sub3A_474, %mul3A_541 : i32
        %add3A_543 = arith.constant 112 : i32
        %add3A_544 = arith.addi %mul3A_542, %add3A_543 : i32
        %get3A_545 = arith.index_cast %add3A_544 : i32 to index
        %get3A_546 = tpu.vector_load %arg5[%get3A_545] {strides = array<i32>} : memref<25600xi32, #tpu.memory_space<vmem>>, vector<16xi32>,
        tpu.vector_store_idx %arg10[%add3A_540, %get3A_546], %broadcast_in_dim3A_3 : memref<128x128xf32, #tpu.memory_space<vmem>>[vector<16xi32>, vector<16xi32>], vector<16xf32>,
      } else {
      }
      %add3A_391 = arith.constant 0 : i32
      %add3A_392 = vector.broadcast %add3A_391 : i32 to vector<16xi32>
      %add3A_393 = arith.addi %iota3A, %add3A_392 : vector<16xi32>
      %mul3A_394 = arith.constant 128 : i32
      %mul3A_395 = arith.muli %add3A_385, %mul3A_394 : i32
      %add3A_396 = arith.constant 0 : i32
      %add3A_397 = arith.addi %mul3A_395, %add3A_396 : i32
      %get3A_398 = arith.index_cast %add3A_397 : i32 to index
      %get3A_399 = tpu.vector_load %arg5[%get3A_398] {strides = array<i32>} : memref<25600xi32, #tpu.memory_space<vmem>>, vector<16xi32>,
      tpu.vector_store_idx %arg10[%add3A_393, %get3A_399], %broadcast_in_dim3A_1 : memref<128x128xf32, #tpu.memory_space<vmem>>[vector<16xi32>, vector<16xi32>], vector<16xf32>,
      %add3A_400 = arith.constant 16 : i32
      %add3A_401 = vector.broadcast %add3A_400 : i32 to vector<16xi32>
      %add3A_402 = arith.addi %iota3A, %add3A_401 : vector<16xi32>
      %mul3A_403 = arith.constant 128 : i32
      %mul3A_404 = arith.muli %add3A_385, %mul3A_403 : i32
      %add3A_405 = arith.constant 16 : i32
      %add3A_406 = arith.addi %mul3A_404, %add3A_405 : i32
      %get3A_407 = arith.index_cast %add3A_406 : i32 to index
      %get3A_408 = tpu.vector_load %arg5[%get3A_407] {strides = array<i32>} : memref<25600xi32, #tpu.memory_space<vmem>>, vector<16xi32>,
      tpu.vector_store_idx %arg10[%add3A_402, %get3A_408], %broadcast_in_dim3A_1 : memref<128x128xf32, #tpu.memory_space<vmem>>[vector<16xi32>, vector<16xi32>], vector<16xf32>,
      %add3A_409 = arith.constant 32 : i32
      %add3A_410 = vector.broadcast %add3A_409 : i32 to vector<16xi32>
      %add3A_411 = arith.addi %iota3A, %add3A_410 : vector<16xi32>
      %mul3A_412 = arith.constant 128 : i32
      %mul3A_413 = arith.muli %add3A_385, %mul3A_412 : i32
      %add3A_414 = arith.constant 32 : i32
      %add3A_415 = arith.addi %mul3A_413, %add3A_414 : i32
      %get3A_416 = arith.index_cast %add3A_415 : i32 to index
      %get3A_417 = tpu.vector_load %arg5[%get3A_416] {strides = array<i32>} : memref<25600xi32, #tpu.memory_space<vmem>>, vector<16xi32>,
      tpu.vector_store_idx %arg10[%add3A_411, %get3A_417], %broadcast_in_dim3A_1 : memref<128x128xf32, #tpu.memory_space<vmem>>[vector<16xi32>, vector<16xi32>], vector<16xf32>,
      %add3A_418 = arith.constant 48 : i32
      %add3A_419 = vector.broadcast %add3A_418 : i32 to vector<16xi32>
      %add3A_420 = arith.addi %iota3A, %add3A_419 : vector<16xi32>
      %mul3A_421 = arith.constant 128 : i32
      %mul3A_422 = arith.muli %add3A_385, %mul3A_421 : i32
      %add3A_423 = arith.constant 48 : i32
      %add3A_424 = arith.addi %mul3A_422, %add3A_423 : i32
      %get3A_425 = arith.index_cast %add3A_424 : i32 to index
      %get3A_426 = tpu.vector_load %arg5[%get3A_425] {strides = array<i32>} : memref<25600xi32, #tpu.memory_space<vmem>>, vector<16xi32>,
      tpu.vector_store_idx %arg10[%add3A_420, %get3A_426], %broadcast_in_dim3A_1 : memref<128x128xf32, #tpu.memory_space<vmem>>[vector<16xi32>, vector<16xi32>], vector<16xf32>,
      %add3A_427 = arith.constant 64 : i32
      %add3A_428 = vector.broadcast %add3A_427 : i32 to vector<16xi32>
      %add3A_429 = arith.addi %iota3A, %add3A_428 : vector<16xi32>
      %mul3A_430 = arith.constant 128 : i32
      %mul3A_431 = arith.muli %add3A_385, %mul3A_430 : i32
      %add3A_432 = arith.constant 64 : i32
      %add3A_433 = arith.addi %mul3A_431, %add3A_432 : i32
      %get3A_434 = arith.index_cast %add3A_433 : i32 to index
      %get3A_435 = tpu.vector_load %arg5[%get3A_434] {strides = array<i32>} : memref<25600xi32, #tpu.memory_space<vmem>>, vector<16xi32>,
      tpu.vector_store_idx %arg10[%add3A_429, %get3A_435], %broadcast_in_dim3A_1 : memref<128x128xf32, #tpu.memory_space<vmem>>[vector<16xi32>, vector<16xi32>], vector<16xf32>,
      %add3A_436 = arith.constant 80 : i32
      %add3A_437 = vector.broadcast %add3A_436 : i32 to vector<16xi32>
      %add3A_438 = arith.addi %iota3A, %add3A_437 : vector<16xi32>
      %mul3A_439 = arith.constant 128 : i32
      %mul3A_440 = arith.muli %add3A_385, %mul3A_439 : i32
      %add3A_441 = arith.constant 80 : i32
      %add3A_442 = arith.addi %mul3A_440, %add3A_441 : i32
      %get3A_443 = arith.index_cast %add3A_442 : i32 to index
      %get3A_444 = tpu.vector_load %arg5[%get3A_443] {strides = array<i32>} : memref<25600xi32, #tpu.memory_space<vmem>>, vector<16xi32>,
      tpu.vector_store_idx %arg10[%add3A_438, %get3A_444], %broadcast_in_dim3A_1 : memref<128x128xf32, #tpu.memory_space<vmem>>[vector<16xi32>, vector<16xi32>], vector<16xf32>,
      %add3A_445 = arith.constant 96 : i32
      %add3A_446 = vector.broadcast %add3A_445 : i32 to vector<16xi32>
      %add3A_447 = arith.addi %iota3A, %add3A_446 : vector<16xi32>
      %mul3A_448 = arith.constant 128 : i32
      %mul3A_449 = arith.muli %add3A_385, %mul3A_448 : i32
      %add3A_450 = arith.constant 96 : i32
      %add3A_451 = arith.addi %mul3A_449, %add3A_450 : i32
      %get3A_452 = arith.index_cast %add3A_451 : i32 to index
      %get3A_453 = tpu.vector_load %arg5[%get3A_452] {strides = array<i32>} : memref<25600xi32, #tpu.memory_space<vmem>>, vector<16xi32>,
      tpu.vector_store_idx %arg10[%add3A_447, %get3A_453], %broadcast_in_dim3A_1 : memref<128x128xf32, #tpu.memory_space<vmem>>[vector<16xi32>, vector<16xi32>], vector<16xf32>,
      %add3A_454 = arith.constant 112 : i32
      %add3A_455 = vector.broadcast %add3A_454 : i32 to vector<16xi32>
      %add3A_456 = arith.addi %iota3A, %add3A_455 : vector<16xi32>
      %mul3A_457 = arith.constant 128 : i32
      %mul3A_458 = arith.muli %add3A_385, %mul3A_457 : i32
      %add3A_459 = arith.constant 112 : i32
      %add3A_460 = arith.addi %mul3A_458, %add3A_459 : i32
      %get3A_461 = arith.index_cast %add3A_460 : i32 to index
      %get3A_462 = tpu.vector_load %arg5[%get3A_461] {strides = array<i32>} : memref<25600xi32, #tpu.memory_space<vmem>>, vector<16xi32>,
      tpu.vector_store_idx %arg10[%add3A_456, %get3A_462], %broadcast_in_dim3A_1 : memref<128x128xf32, #tpu.memory_space<vmem>>[vector<16xi32>, vector<16xi32>], vector<16xf32>,
      %mul3A_463 = arith.constant 128 : i32
      %mul3A_464 = arith.muli %add3A_385, %mul3A_463 : i32
      %add3A_465 = arith.addi %mul3A_5, %mul3A_464 : i32
      %dma_start3A_466 = arith.constant 0 : i32
      %dma_start3A_467 = tpu.memref_slice %arg4[%add3A_465, %dma_start3A_466] : memref<819200x128xf32, #tpu.memory_space<hbm>> -> memref<128x128xf32, #tpu.memory_space<hbm>>
      %dma_start3A_468 = arith.constant 0 : i32
      %dma_start3A_469 = tpu.memref_slice %arg4[%add3A_465, %dma_start3A_468] : memref<819200x128xf32, #tpu.memory_space<hbm>> -> memref<128x128xf32, #tpu.memory_space<hbm>>
      tpu.enqueue_dma source(%arg10 : memref<128x128xf32, #tpu.memory_space<vmem>>) target(%dma_start3A_469 : memref<128x128xf32, #tpu.memory_space<hbm>>) target_semaphore(%arg15 : memref<!tpu.dma_semaphore, #tpu.memory_space<semaphore_mem>>)
    }
    %scan3A_12 = arith.constant 40 : i32
    %dma_wait3A_13 = arith.constant 0 : i32
    %dma_wait3A_14 = tpu.memref_slice %arg4[%mul3A_5, %dma_wait3A_13] : memref<819200x128xf32, #tpu.memory_space<hbm>> -> memref<128x128xf32, #tpu.memory_space<hbm>>
    %dma_wait3A_15 = arith.constant 0 : i32
    %dma_wait3A_16 = tpu.memref_slice %arg4[%mul3A_5, %dma_wait3A_15] : memref<819200x128xf32, #tpu.memory_space<hbm>> -> memref<128x128xf32, #tpu.memory_space<hbm>>
    tpu.wait_dma2 semaphore(%arg11 : memref<!tpu.dma_semaphore, #tpu.memory_space<semaphore_mem>>) src(%arg6 : memref<128x128xf32, #tpu.memory_space<vmem>>) dst(%dma_wait3A_16 : memref<128x128xf32, #tpu.memory_space<hbm>>)
    %dma_wait3A_17 = arith.constant 0 : i32
    %dma_wait3A_18 = tpu.memref_slice %arg4[%mul3A_5, %dma_wait3A_17] : memref<819200x128xf32, #tpu.memory_space<hbm>> -> memref<128x128xf32, #tpu.memory_space<hbm>>
    %dma_wait3A_19 = arith.constant 0 : i32
    %dma_wait3A_20 = tpu.memref_slice %arg4[%mul3A_5, %dma_wait3A_19] : memref<819200x128xf32, #tpu.memory_space<hbm>> -> memref<128x128xf32, #tpu.memory_space<hbm>>
    tpu.wait_dma2 semaphore(%arg12 : memref<!tpu.dma_semaphore, #tpu.memory_space<semaphore_mem>>) src(%arg7 : memref<128x128xf32, #tpu.memory_space<vmem>>) dst(%dma_wait3A_20 : memref<128x128xf32, #tpu.memory_space<hbm>>)
    %dma_wait3A_21 = arith.constant 0 : i32
    %dma_wait3A_22 = tpu.memref_slice %arg4[%mul3A_5, %dma_wait3A_21] : memref<819200x128xf32, #tpu.memory_space<hbm>> -> memref<128x128xf32, #tpu.memory_space<hbm>>
    %dma_wait3A_23 = arith.constant 0 : i32
    %dma_wait3A_24 = tpu.memref_slice %arg4[%mul3A_5, %dma_wait3A_23] : memref<819200x128xf32, #tpu.memory_space<hbm>> -> memref<128x128xf32, #tpu.memory_space<hbm>>
    tpu.wait_dma2 semaphore(%arg13 : memref<!tpu.dma_semaphore, #tpu.memory_space<semaphore_mem>>) src(%arg8 : memref<128x128xf32, #tpu.memory_space<vmem>>) dst(%dma_wait3A_24 : memref<128x128xf32, #tpu.memory_space<hbm>>)
    %dma_wait3A_25 = arith.constant 0 : i32
    %dma_wait3A_26 = tpu.memref_slice %arg4[%mul3A_5, %dma_wait3A_25] : memref<819200x128xf32, #tpu.memory_space<hbm>> -> memref<128x128xf32, #tpu.memory_space<hbm>>
    %dma_wait3A_27 = arith.constant 0 : i32
    %dma_wait3A_28 = tpu.memref_slice %arg4[%mul3A_5, %dma_wait3A_27] : memref<819200x128xf32, #tpu.memory_space<hbm>> -> memref<128x128xf32, #tpu.memory_space<hbm>>
    tpu.wait_dma2 semaphore(%arg14 : memref<!tpu.dma_semaphore, #tpu.memory_space<semaphore_mem>>) src(%arg9 : memref<128x128xf32, #tpu.memory_space<vmem>>) dst(%dma_wait3A_28 : memref<128x128xf32, #tpu.memory_space<hbm>>)
    %dma_wait3A_29 = arith.constant 0 : i32
    %dma_wait3A_30 = tpu.memref_slice %arg4[%mul3A_5, %dma_wait3A_29] : memref<819200x128xf32, #tpu.memory_space<hbm>> -> memref<128x128xf32, #tpu.memory_space<hbm>>
    %dma_wait3A_31 = arith.constant 0 : i32
    %dma_wait3A_32 = tpu.memref_slice %arg4[%mul3A_5, %dma_wait3A_31] : memref<819200x128xf32, #tpu.memory_space<hbm>> -> memref<128x128xf32, #tpu.memory_space<hbm>>
    tpu.wait_dma2 semaphore(%arg15 : memref<!tpu.dma_semaphore, #tpu.memory_space<semaphore_mem>>) src(%arg10 : memref<128x128xf32, #tpu.memory_space<vmem>>) dst(%dma_wait3A_32 : memref<128x128xf32, #tpu.memory_space<hbm>>)
    return
  }
}

</mosaic_0001>

<sc_bundles>
// kernel: kernel.3.cloned.1.call-start
scs
__scs_entry_jumppad:
0x0: {  	(pc) =	sbr.rel $0x88, $3  }
0x1: {  	(tag) =	ssettag $0x0;
	lr =	simm.s32 $0x1  }
0x2: {  	[smem:$0x3FA0] =	sst lr;
	_ =	strace $0xD0000000  }
0x3: {  	_ = 	snop  }
0x4: {  	_ = 	snop  }
0x5: {  	_ = 	snop  }
0x6: {  	_ = 	snop  }
0x7: {  	_ = 	snop  }
__scs_overlays_trampoline_lowered:
0x8: {  	[smem:$0x3FAF] =	sst s0  }
0x9: {  	[smem:$0x3FB0] =	sst s1  }
0xa: {  	[smem:$0x3FB1] =	sst s2  }
0xb: {  	[smem:$0x3FB2] =	sst s3  }
0xc: {  	[smem:$0x3FB3] =	sst s4  }
0xd: {  	[smem:$0x3FB4] =	sst s5  }
0xe: {  	[smem:$0x3FB5] =	sst s6  }
0xf: {  	[smem:$0x3FB6] =	sst s7  }
0x10: {  	[smem:$0x3FB7] =	sst s8  }
0x11: {  	[smem:$0x3FB8] =	sst s9;
	s0 =	simm.s32 @!p0 $0x0  }
0x12: {  	s1 =	sld [smem:$0x3F9E];
	s0 =	simm.s32 @p0 $0x1  }
0x13: {  	[smem:$0x3FB9] =	sst s0;
	s0 =	simm.s32 @!p1 $0x0  }
0x14: {  	s2 =	sld [smem:$0x3F9D];
	s0 =	simm.s32 @p1 $0x1  }
0x15: {  	[smem:$0x3FBA] =	sst s0;
	s0 =	simm.s32 @!p2 $0x0  }
0x16: {  	s3 =	sld [smem:$0x3FDB];
	s0 =	simm.s32 @p2 $0x1  }
0x17: {  	s4 =	simm.s32 $0x1BF5;
	[smem:$0x3FBC] =	sst s0  }
0x18: {  	s0 =	sld [smem:$0x3F9F];
	_ =	swait.ge [sflag:s4], $0x0  }
0x19: {  	s7 =	sld [smem:$0x3FA0]  }
0x1a: {  	s8 =	sadd.s32 $0xFFFFE003, lr  }
0x1b: {  	s9 =	sadd.s32 $0xFFFFFEF7, lr;
	s5 =	simm.s32 $0xFFFFFFFF;
	p2 =	slt.u32 s8, $0xFFFFF086  }
0x1c: {  	p1 =	slt.u32 s9, $0xF7A;
	s5 =	simm.s32 @!p2 $0x0  }
0x1d: {  	s5 =	simm.s32 @p1 $0x1;
	p0 =	seq.s32 s7, s2  }
0x1e: {  	s7 =	smul.u32 @!p0 $0xF7A, s2;
	p2 =	seq.s32 @!p0 s5, $0x0  }
0x1f: {  	s9 =	smul.u32 $0xF7A, s1;
	s8 =	simm.s32 @!p0 $0x1BF5;
	p2 =	por !p2, p0  }
0x20: {  	[sflag:s8] =	ssyncset.s32 @!p0 $0xFFFFF086;
	s6 =	sadd.s32 @!p0 s3, s7;
	s7 =	simm.s32 @!p0 $0x108  }
0x21: {  	s3 =	sadd.s32 s3, s9;
	s6 =	sadd.s32 @!p0 $0x88, s6;
	s7 =	simm.s32 @p2 $0x1082  }
0x22: {  	[simem:s7], [sflag:s8] =	dma.local @!p0 [hbm:s6], $0xF7A  }
0x23: {  	s9 =	sor.u32 $0xD0000000, s2;
	s6 =	simm.s32 $0x108;
	_ =	swait.ge @!p0 [sflag:s8], $0x0  }
0x24: {  	s3 =	sadd.s32 $0x88, s3;
	s6 =	simm.s32 @!p1 $0x1082;
	[sflag:s4] =	ssyncset.s32 $0xFFFFF086  }
0x25: {  	[simem:s6], [sflag:s4] =	dma.local [hbm:s3], $0xF7A  }
0x26: {  	[smem:$0x3FA0] =	sst s1;
	(tag) =	ssettag s2;
	_ =	strace s9  }
0x27: {  	s1 =	sld [smem:$0x3FB0]  }
0x28: {  	s2 =	sld [smem:$0x3FB1]  }
0x29: {  	s4 =	sld [smem:$0x3FB3]  }
0x2a: {  	p0 =	seq.s32 s5, $0x0;
	s5 =	sld [smem:$0x3FB4]  }
0x2b: {  	s6 =	sld [smem:$0x3FB5]  }
0x2c: {  	s7 =	sld [smem:$0x3FB6]  }
0x2d: {  	s3 =	simm.s32 $0x108;
	s8 =	sld [smem:$0x3FB7]  }
0x2e: {  	s3 =	simm.s32 @!p0 $0x1082;
	s9 =	sld [smem:$0x3FB8]  }
0x2f: {  	lr =	sadd.s32 s0, s3;
	s0 =	sld [smem:$0x3FAF]  }
0x30: {  	s3 =	sld [smem:$0x3FB2]  }
0x31: {  	[smem:$0x3FBB] =	sst s10  }
0x32: {  	s10 =	sld [smem:$0x3FB9];
	_ =	sdelay $0x3  }
0x33: {  	p0 =	seq.s32 s10, $0x1;
	s10 =	sld [smem:$0x3FBB];
	_ =	sdelay $0x3  }
0x34: {  	[smem:$0x3FBB] =	sst s10  }
0x35: {  	s10 =	sld [smem:$0x3FBA];
	_ =	sdelay $0x3  }
0x36: {  	p1 =	seq.s32 s10, $0x1;
	s10 =	sld [smem:$0x3FBB];
	_ =	sdelay $0x3  }
0x37: {  	[smem:$0x3FBB] =	sst s10  }
0x38: {  	s10 =	sld [smem:$0x3FBC]  }
0x39: {  	_ = 	snop;
	(pc) =	sbr.ind lr, $3  }
0x3a: {  	_ = 	snop  }
0x3b: {  	_ = 	snop  }
0x3c: {  	p2 =	seq.s32 s10, $0x1;
	s10 =	sld [smem:$0x3FBB]  }
0x3d: {  	_ =	shalt  }
0x3e: {  	_ =	shalt  }
0x3f: {  	_ =	shalt  }
0x40: {  	_ =	shalt  }
0x41: {  	_ =	shalt  }
0x42: {  	_ =	shalt  }
0x43: {  	_ =	shalt  }
0x44: {  	_ =	shalt  }
0x45: {  	_ =	shalt  }
0x46: {  	_ =	shalt  }
0x47: {  	_ =	shalt  }
0x48: {  	_ =	shalt  }
0x49: {  	_ =	shalt  }
0x4a: {  	_ =	shalt  }
0x4b: {  	_ =	shalt  }
0x4c: {  	_ =	shalt  }
0x4d: {  	_ =	shalt  }
0x4e: {  	_ =	shalt  }
0x4f: {  	_ =	shalt  }
0x50: {  	_ =	shalt  }
0x51: {  	_ =	shalt  }
0x52: {  	_ =	shalt  }
0x53: {  	_ =	shalt  }
0x54: {  	_ =	shalt  }
0x55: {  	_ =	shalt  }
0x56: {  	_ =	shalt  }
0x57: {  	_ =	shalt  }
0x58: {  	_ =	shalt  }
0x59: {  	_ =	shalt  }
0x5a: {  	_ =	shalt  }
0x5b: {  	_ =	shalt  }
0x5c: {  	_ =	shalt  }
0x5d: {  	_ =	shalt  }
0x5e: {  	_ =	shalt  }
0x5f: {  	_ =	shalt  }
0x60: {  	_ =	shalt  }
0x61: {  	_ =	shalt  }
0x62: {  	_ =	shalt  }
0x63: {  	_ =	shalt  }
0x64: {  	_ =	shalt  }
0x65: {  	_ =	shalt  }
0x66: {  	_ =	shalt  }
0x67: {  	_ =	shalt  }
0x68: {  	_ =	shalt  }
0x69: {  	_ =	shalt  }
0x6a: {  	_ =	shalt  }
0x6b: {  	_ =	shalt  }
0x6c: {  	_ =	shalt  }
0x6d: {  	_ =	shalt  }
0x6e: {  	_ =	shalt  }
0x6f: {  	_ =	shalt  }
0x70: {  	_ =	shalt  }
0x71: {  	_ =	shalt  }
0x72: {  	_ =	shalt  }
0x73: {  	_ =	shalt  }
0x74: {  	_ =	shalt  }
0x75: {  	_ =	shalt  }
0x76: {  	_ =	shalt  }
0x77: {  	_ =	shalt  }
0x78: {  	_ =	shalt  }
0x79: {  	_ =	shalt  }
0x7a: {  	_ =	shalt  }
0x7b: {  	_ =	shalt  }
0x7c: {  	_ =	shalt  }
0x7d: {  	_ =	shalt  }
0x7e: {  	_ =	shalt  }
0x7f: {  	_ =	shalt  }
0x80: {  	_ =	shalt  }
0x81: {  	_ =	shalt  }
0x82: {  	_ =	shalt  }
0x83: {  	_ =	shalt  }
0x84: {  	_ =	shalt  }
0x85: {  	_ =	shalt  }
0x86: {  	_ =	shalt  }
0x87: {  	_ =	shalt  }
.Lfunc_end0:
.L_simem_size_0:
called_computation_lowered:
.L_overlay_start_0:
0x88: {  	s2 =	sld [smem:$0x3FD9]  }
0x89: {  	s3 =	sld [smem:$0x3FFE];
	_ =	sdelay $0x1  }
0x8a: {  	s1 =	srdreg.scid  }
0x8b: {  	s0 =	sand.u32 $0x1, s1  }
0x8c: {  	s17 =	sshll.u32 s0, $0xA;
	s2 =	sadd.s32 s3, s2  }
0x8d: {  	s2 =	sadd.s32 s2, s17  }
0x8e: {  	[smem:$0x3FC7] =	sst s2  }
0x8f: {  	_ = 	snop  }
0x90: {  	s2 =	sld [smem:$0x3FD0];
	(tm) =	ssettm $0x1  }
0x91: {  	s18 =	sld [smem:$0x3FFB];
	_ =	sdelay $0x3  }
0x92: {  	_ =	strace s18  }
0x93: {  	s3 =	sld [smem:$0x3FFC];
	_ =	sdelay $0x3  }
0x94: {  	_ =	strace s3  }
0x95: {  	s3 =	sld [smem:$0x3FFD];
	_ =	sdelay $0x3  }
0x96: {  	_ =	strace s3  }
0x97: {  	_ =	strace $0x8FFFFFFF  }
0x98: {  	s19 =	sld [smem:$0x3FDB];
	_ =	sdelay $0x1  }
0x99: {  	s4 =	simm.s32 $_scs_section_size  }
0x9a: {  	s5 =	simm.s32 $_size__tile_overlayer_lowered;
	s6 =	simm.s32 $_tile_overlayer_lowered  }
0x9b: {  	s22 =	simm.s32 $0x1BFF;
	s21 =	sshll.u32 s6, $0x1;
	s3 =	sadd.s32 s4, s19  }
0x9c: {  	s7 =	simm.s32 $0x0;
	s20 =	sshll.u32 s5, $0x1;
	s5 =	sadd.s32 s21, s3  }
0x9d: {  	[timem:s7], [sflag:s22] =	dma.local [hbm:s5], s20  }
0x9e: {  	_ =	swait.ge [sflag:s22], s20  }
0x9f: {  	s4 =	ssub.s32 $0x0, s20;
	[sflag:s22] =	ssyncset.done $0x0  }
0xa0: {  	[sflag:s22] =	ssyncadd.s32 s4;
	_ =	sdelay $0x1  }
0xa1: {  	s23 =	simm.s32 $0x1B8B  }
0xa2: {  	_ =	swait.ge [sflag:s23], $0x1  }
0xa3: {  	[sflag:s23] =	ssyncset.done $0x0  }
0xa4: {  	s25 =	simm.s32 $0x1B8E;
	s24 =	sld [smem:$0x3FFE];
	[sflag:s23] =	ssyncadd.s32 $0xFFFFFFFF  }
0xa5: {  	s26 =	simm.s32 $execute0_lowered;
	[smem:$0x3FD2] =	sst s25  }
0xa6: {  	s5 =	sshll.u32 s26, $0x1;
	_ =	strace $0x80000046;
	[dreg:$0x1] =	wrdreg $0xFFFFFFFF  }
0xa7: {  	s28 =	simm.s32 $_size_execute0_lowered;
	s3 =	sadd.s32 s3, s5;
	[dreg:$0x0] =	wrdreg $0x0  }
0xa8: {  	s5 =	sshll.u32 s28, $0x1;
	[dreg:$0x2] =	wrdreg s3  }
0xa9: {  	[dreg:$0x3] =	wrdreg s5  }
0xaa: {  	[dreg:$0x4] =	wrdreg $0xC0  }
0xab: {  	_ =	task [dreg:s7], $0x5FFFF  }
0xac: {  	[dreg:$0x1] =	wrdreg $0xFFFFFFFF  }
0xad: {  	[dreg:$0x0] =	wrdreg $0x60  }
0xae: {  	[dreg:$0x2] =	wrdreg s24  }
0xaf: {  	[dreg:$0x3] =	wrdreg s2  }
0xb0: {  	[dreg:$0x4] =	wrdreg $0x9  }
0xb1: {  	_ =	task.clear_ibuf [dreg:s7], $0x5FFFF;
	_ =	strace $0x90000046  }
0xb2: {  	s29 =	simm.s32 $0x9;
	_ =	strace $0x80000048  }
0xb3: {  	_ =	swait.ge [sflag:s29], $0x1  }
0xb4: {  	[sflag:s29] =	ssyncadd.s32 $0xFFFFFFFF  }
0xb5: {  	_ =	strace $0x90000048  }
0xb6: {  	_ =	sfence  }
0xb7: {  	s30 =	sld [smem:$0x0];
	_ =	sdelay $0x2  }
0xb8: {  	s31 =	sshll.u32 s1, $0xD;
	s1 =	sshrl.u32 s1, $0x2  }
0xb9: {  	s3 =	sand.u32 $0x4000, s31;
	s1 =	sadd.s32 s1, s30  }
0xba: {  	s0 =	sor.u32 s3, s0;
	s1 =	sshll.u32 s1, $0x11  }
0xbb: {  	s0 =	sor.u32 s1, s0  }
0xbc: {  	s0 =	sadd.s32 $0x8F2B, s0  }
0xbd: {  	[sflag:s0] =	ssyncadd.remote.s32 $0x1  }
0xbe: {  	_ =	sfence.sel $0xFFFF  }
0xbf: {  	[dreg:$0x0] =	wrdreg $0xFFFFFFFF;
	(pc) =	sbr.abs _section_cstart, $3  }
0xc0: {  	[dreg:$0x1] =	wrdreg $0xFFFFFFFF  }
0xc1: {  	_ =	task.clear_ibuf [dreg:s7], $0x2FFFF;
	_ =	strace $0x9FFFFFFF  }
0xc2: {  	(tm) =	ssettm $0x7FFFFFFF  }
0xc3: {  	_ =	shalt  }
tec
execute0_lowered:
.L_overlay_start_1:
0x0: {  	(tag) =	ssettag $0x1  }
0x1: {  	s1 =	srdreg.scid  }
0x2: {  	s0 =	stileid.u32;
	s3 =	rddreg [dreg:$0x0]  }
0x3: {  	s5 =	rddreg [dreg:$0x1];
	s2 =	simm.s32 $0x0;
	s12 =	simm.s32 $0xA400  }
0x4: {  	s13 =	simm.s32 $0xE400;
	s14 =	simm.s32 $0x12400;
	s15 =	simm.s32 $0x16400  }
0x5: {  	s16 =	simm.s32 $0x6;
	s17 =	simm.s32 $0x1;
	s18 =	simm.s32 $0x2  }
0x6: {  	s19 =	simm.s32 $0x3;
	s20 =	simm.s32 $0x4;
	s21 =	simm.s32 $0x5  }
0x7: {  	s22 =	simm.s32 $0x0;
	s4 =	sand.u32 $0x1, s1;
	s7 =	smul.u32 $0xC800, s0  }
0x8: {  	s26 =	sshll.u32 s0, $0x1;
	s1 =	rddreg [dreg:$0x2];
	s11 =	smul.u32 $0xC8000, s0  }
0x9: {  	[smem:$0x7FF] =	sst s2;
	s6 =	sor.u32 s4, s26;
	s8 =	smul.u32 $0x6400, s4  }
0xa: {  	_ =	strace $0x80000047;
	s9 =	ssub.s32 $0x2, s4;
	s6 =	smul.u32 $0x6400, s6  }
0xb: {  	v0 =	vlaneseq.u32;
	s29 =	smul.u32 $0x64000, s4;
	s10 =	sshrl.u32 s9, $0x1;
	s30 =	sadd.s32 s11, s5  }
0xc: {  	v0 =	vmul.u32 $0x80, v0;
	s11 =	simm.s32 $0x6400;
	s7 =	sadd.s32 s8, s7;
	s6 =	sshrl.u32 s6, $0x3  }
0xd: {  	s28 =	ssub.s32 s9, s10;
	s7 =	sshll.u32 s7, $0x4;
	s6 =	sadd.s32 s6, s3  }
0xe: {  	v1 =	vimm.f32 $1.000000000e+00;
	v2 =	vor.u32 $0x800, v0;
	s3 =	sadd.s32 $0x19400, s3;
	s31 =	sadd.s32 s7, s5;
	s5 =	smax.u32 s28, $0x1  }
0xf: {  	v3 =	vor.u32 $0x1000, v0;
	v4 =	vor.u32 $0x1800, v0;
	v5 =	vor.u32 $0x2000, v0;
	s4 =	sadd.s32 $0x400, s6;
	s6 =	sadd.s32 s29, s30;
	s7 =	sadd.s32 $0x800, s31  }
0x10: {  	v6 =	vor.u32 $0x2800, v0;
	v7 =	vor.u32 $0x3000, v0;
	v8 =	vor.u32 $0x3800, v0;
	s8 =	sadd.s32 $0x1000, s31;
	s9 =	sadd.s32 $0x1800, s31;
	s10 =	sadd.s32 $0x2000, s31  }
.LBB2_1:
0x11: {  	[tilespmem:s2], [sflag:$0x6] =	stream.linear.gather [hbm4b:s4+s2], $0x6400, $0x38;
	[tilespmem:$0x1A400] =	vst v63  }
0x12: {  	_ = 	snop  }
0x13: {  	[tilespmem:s11], [sflag:$0x1] =	stream.linear.gather [hbm4b:s3+s2], $0x4000, $0x38;
	[tilespmem:$0x1A400] =	vst v63  }
0x14: {  	_ = 	snop  }
0x15: {  	[tilespmem:s12], [sflag:$0x2] =	stream.linear.gather [hbm4b:s3+s2], $0x4000, $0x38;
	[tilespmem:$0x1A400] =	vst v63  }
0x16: {  	_ = 	snop  }
0x17: {  	[tilespmem:s13], [sflag:$0x3] =	stream.linear.gather [hbm4b:s3+s2], $0x4000, $0x38;
	[tilespmem:$0x1A400] =	vst v63  }
0x18: {  	_ = 	snop  }
0x19: {  	[tilespmem:s14], [sflag:$0x4] =	stream.linear.gather [hbm4b:s3+s2], $0x4000, $0x38;
	[tilespmem:$0x1A400] =	vst v63  }
0x1a: {  	_ = 	snop  }
0x1b: {  	[tilespmem:s15], [sflag:$0x5] =	stream.linear.gather [hbm4b:s3+s2], $0x4000, $0x38;
	[tilespmem:$0x1A400] =	vst v63  }
0x1c: {  	_ =	swait.ge [sflag:s16], $0x6400  }
0x1d: {  	[sflag:s16] =	ssyncset.done $0x0  }
0x1e: {  	[sflag:s16] =	ssyncadd.s32 $0xFFFF9C00  }
0x1f: {  	_ =	swait.ge [sflag:s17], $0x4000  }
0x20: {  	[sflag:s17] =	ssyncset.done $0x0  }
0x21: {  	[sflag:s17] =	ssyncadd.s32 $0xFFFFC000  }
0x22: {  	_ =	swait.ge [sflag:s18], $0x4000  }
0x23: {  	[sflag:s18] =	ssyncset.done $0x0  }
0x24: {  	[sflag:s18] =	ssyncadd.s32 $0xFFFFC000  }
0x25: {  	_ =	swait.ge [sflag:s19], $0x4000  }
0x26: {  	[sflag:s19] =	ssyncset.done $0x0  }
0x27: {  	[sflag:s19] =	ssyncadd.s32 $0xFFFFC000  }
0x28: {  	_ =	swait.ge [sflag:s20], $0x4000  }
0x29: {  	[sflag:s20] =	ssyncset.done $0x0  }
0x2a: {  	[sflag:s20] =	ssyncadd.s32 $0xFFFFC000  }
0x2b: {  	_ =	swait.ge [sflag:s21], $0x4000  }
0x2c: {  	[sflag:s21] =	ssyncset.done $0x0  }
0x2d: {  	s23 =	simm.s32 $0x0;
	s24 =	simm.s32 $0x0;
	[sflag:s21] =	ssyncadd.s32 $0xFFFFC000  }
.LBB2_2:
0x2e: {  	p0 =	seq.s32 s24, $0x0  }
0x2f: {  	s25 =	simm.s32 @!p0 $0x1  }
0x30: {  	_ =	swait.ge @!p0 [sflag:s25], $0x4000  }
0x31: {  	[sflag:s25] =	ssyncset.done @!p0 $0x0  }
0x32: {  	[sflag:s25] =	ssyncadd.s32 @!p0 $0xFFFFC000  }
0x33: {  	v9 =	vld @!p0 [tilespmem:s23+$0xFFFFFD80];
	_ =	sdelay $0x1  }
0x34: {  	v10 =	vlaneseq.u32 @!p0  }
0x35: {  	v10 =	vmul.u32 @!p0 $0x80, v10;
	_ =	sdelay $0x1  }
0x36: {  	v11 =	vadd.s32 @!p0 v10, v9;
	_ =	sdelay $0x3  }
0x37: {  	s25 =	simm.s32 @!p0 $0x6400;
	v9 =	vimm.f32 @!p0 $0.0e+00  }
0x38: {  	[tilespmem:v11+s25+$0x0] =	vst.idx.msk @!p0 $0xffff, v9  }
0x39: {  	v12 =	vld @!p0 [tilespmem:s23+$0xFFFFFD90];
	_ =	sdelay $0x3  }
0x3a: {  	v11 =	vor.u32 @!p0 $0x800, v10  }
0x3b: {  	v12 =	vadd.s32 @!p0 v11, v12;
	_ =	sdelay $0x4  }
0x3c: {  	[tilespmem:v12+s25+$0x0] =	vst.idx.msk @!p0 $0xffff, v9  }
0x3d: {  	v13 =	vld @!p0 [tilespmem:s23+$0xFFFFFDA0];
	_ =	sdelay $0x3  }
0x3e: {  	v12 =	vor.u32 @!p0 $0x1000, v10  }
0x3f: {  	v13 =	vadd.s32 @!p0 v12, v13;
	_ =	sdelay $0x4  }
0x40: {  	[tilespmem:v13+s25+$0x0] =	vst.idx.msk @!p0 $0xffff, v9  }
0x41: {  	v14 =	vld @!p0 [tilespmem:s23+$0xFFFFFDB0];
	_ =	sdelay $0x3  }
0x42: {  	v13 =	vor.u32 @!p0 $0x1800, v10  }
0x43: {  	v14 =	vadd.s32 @!p0 v13, v14;
	_ =	sdelay $0x4  }
0x44: {  	[tilespmem:v14+s25+$0x0] =	vst.idx.msk @!p0 $0xffff, v9  }
0x45: {  	v15 =	vld @!p0 [tilespmem:s23+$0xFFFFFDC0];
	_ =	sdelay $0x3  }
0x46: {  	v14 =	vor.u32 @!p0 $0x2000, v10  }
0x47: {  	v15 =	vadd.s32 @!p0 v14, v15;
	_ =	sdelay $0x4  }
0x48: {  	[tilespmem:v15+s25+$0x0] =	vst.idx.msk @!p0 $0xffff, v9  }
0x49: {  	v16 =	vld @!p0 [tilespmem:s23+$0xFFFFFDD0];
	_ =	sdelay $0x3  }
0x4a: {  	v15 =	vor.u32 @!p0 $0x2800, v10  }
0x4b: {  	v16 =	vadd.s32 @!p0 v15, v16;
	_ =	sdelay $0x4  }
0x4c: {  	[tilespmem:v16+s25+$0x0] =	vst.idx.msk @!p0 $0xffff, v9  }
0x4d: {  	v17 =	vld @!p0 [tilespmem:s23+$0xFFFFFDE0];
	_ =	sdelay $0x3  }
0x4e: {  	v16 =	vor.u32 @!p0 $0x3000, v10  }
0x4f: {  	v17 =	vadd.s32 @!p0 v16, v17;
	_ =	sdelay $0x4  }
0x50: {  	[tilespmem:v17+s25+$0x0] =	vst.idx.msk @!p0 $0xffff, v9  }
0x51: {  	v18 =	vld @!p0 [tilespmem:s23+$0xFFFFFDF0];
	_ =	sdelay $0x3  }
0x52: {  	v17 =	vor.u32 @!p0 $0x3800, v10  }
0x53: {  	v18 =	vadd.s32 @!p0 v17, v18;
	_ =	sdelay $0x4  }
0x54: {  	[tilespmem:v18+s25+$0x0] =	vst.idx.msk @!p0 $0xffff, v9  }
0x55: {  	v18 =	vld [tilespmem:s23+$0x0];
	_ =	sdelay $0x4  }
0x56: {  	v18 =	vadd.s32 v0, v18;
	_ =	sdelay $0x4  }
0x57: {  	[tilespmem:v18+s11+$0x0] =	vst.idx.msk $0xffff, v1  }
0x58: {  	v18 =	vld [tilespmem:s23+$0x10];
	_ =	sdelay $0x4  }
0x59: {  	v18 =	vadd.s32 v2, v18;
	_ =	sdelay $0x4  }
0x5a: {  	[tilespmem:v18+s11+$0x0] =	vst.idx.msk $0xffff, v1  }
0x5b: {  	v18 =	vld [tilespmem:s23+$0x20];
	_ =	sdelay $0x4  }
0x5c: {  	v18 =	vadd.s32 v3, v18;
	_ =	sdelay $0x4  }
0x5d: {  	[tilespmem:v18+s11+$0x0] =	vst.idx.msk $0xffff, v1  }
0x5e: {  	v18 =	vld [tilespmem:s23+$0x30];
	_ =	sdelay $0x4  }
0x5f: {  	v18 =	vadd.s32 v4, v18;
	_ =	sdelay $0x4  }
0x60: {  	[tilespmem:v18+s11+$0x0] =	vst.idx.msk $0xffff, v1  }
0x61: {  	v18 =	vld [tilespmem:s23+$0x40];
	_ =	sdelay $0x4  }
0x62: {  	v18 =	vadd.s32 v5, v18;
	_ =	sdelay $0x4  }
0x63: {  	[tilespmem:v18+s11+$0x0] =	vst.idx.msk $0xffff, v1  }
0x64: {  	v18 =	vld [tilespmem:s23+$0x50];
	_ =	sdelay $0x4  }
0x65: {  	v18 =	vadd.s32 v6, v18;
	_ =	sdelay $0x4  }
0x66: {  	[tilespmem:v18+s11+$0x0] =	vst.idx.msk $0xffff, v1  }
0x67: {  	v18 =	vld [tilespmem:s23+$0x60];
	_ =	sdelay $0x4  }
0x68: {  	v18 =	vadd.s32 v7, v18;
	_ =	sdelay $0x4  }
0x69: {  	[tilespmem:v18+s11+$0x0] =	vst.idx.msk $0xffff, v1  }
0x6a: {  	v18 =	vld [tilespmem:s23+$0x70];
	_ =	sdelay $0x4  }
0x6b: {  	v18 =	vadd.s32 v8, v18;
	_ =	sdelay $0x4  }
0x6c: {  	s26 =	sadd.s32 s24, s6;
	s25 =	simm.s32 @!p0 $0x2;
	[tilespmem:v18+s11+$0x0] =	vst.idx.msk $0xffff, v1  }
0x6d: {  	[hbm4b:s26+s2] =	stream.linear.scatter [tilespmem:s11], [sflag:$0x1], $0x4000, $0x38;
	[tilespmem:$0x1A400] =	vst v63  }
0x6e: {  	_ =	swait.ge @!p0 [sflag:s25], $0x4000  }
0x6f: {  	[sflag:s25] =	ssyncset.done @!p0 $0x0  }
0x70: {  	[sflag:s25] =	ssyncadd.s32 @!p0 $0xFFFFC000  }
0x71: {  	v18 =	vld @!p0 [tilespmem:s23+$0xFFFFFE00];
	_ =	sdelay $0x4  }
0x72: {  	v18 =	vadd.s32 @!p0 v10, v18;
	_ =	sdelay $0x3  }
0x73: {  	s25 =	simm.s32 @!p0 $0xA400  }
0x74: {  	[tilespmem:v18+s25+$0x0] =	vst.idx.msk @!p0 $0xffff, v9  }
0x75: {  	v18 =	vld @!p0 [tilespmem:s23+$0xFFFFFE10];
	_ =	sdelay $0x4  }
0x76: {  	v18 =	vadd.s32 @!p0 v11, v18;
	_ =	sdelay $0x4  }
0x77: {  	[tilespmem:v18+s25+$0x0] =	vst.idx.msk @!p0 $0xffff, v9  }
0x78: {  	v18 =	vld @!p0 [tilespmem:s23+$0xFFFFFE20];
	_ =	sdelay $0x4  }
0x79: {  	v18 =	vadd.s32 @!p0 v12, v18;
	_ =	sdelay $0x4  }
0x7a: {  	[tilespmem:v18+s25+$0x0] =	vst.idx.msk @!p0 $0xffff, v9  }
0x7b: {  	v18 =	vld @!p0 [tilespmem:s23+$0xFFFFFE30];
	_ =	sdelay $0x4  }
0x7c: {  	v18 =	vadd.s32 @!p0 v13, v18;
	_ =	sdelay $0x4  }
0x7d: {  	[tilespmem:v18+s25+$0x0] =	vst.idx.msk @!p0 $0xffff, v9  }
0x7e: {  	v18 =	vld @!p0 [tilespmem:s23+$0xFFFFFE40];
	_ =	sdelay $0x4  }
0x7f: {  	v18 =	vadd.s32 @!p0 v14, v18;
	_ =	sdelay $0x4  }
0x80: {  	[tilespmem:v18+s25+$0x0] =	vst.idx.msk @!p0 $0xffff, v9  }
0x81: {  	v18 =	vld @!p0 [tilespmem:s23+$0xFFFFFE50];
	_ =	sdelay $0x4  }
0x82: {  	v18 =	vadd.s32 @!p0 v15, v18;
	_ =	sdelay $0x4  }
0x83: {  	[tilespmem:v18+s25+$0x0] =	vst.idx.msk @!p0 $0xffff, v9  }
0x84: {  	v18 =	vld @!p0 [tilespmem:s23+$0xFFFFFE60];
	_ =	sdelay $0x4  }
0x85: {  	v18 =	vadd.s32 @!p0 v16, v18;
	_ =	sdelay $0x4  }
0x86: {  	[tilespmem:v18+s25+$0x0] =	vst.idx.msk @!p0 $0xffff, v9  }
0x87: {  	v18 =	vld @!p0 [tilespmem:s23+$0xFFFFFE70];
	_ =	sdelay $0x4  }
0x88: {  	v18 =	vadd.s32 @!p0 v17, v18;
	_ =	sdelay $0x4  }
0x89: {  	[tilespmem:v18+s25+$0x0] =	vst.idx.msk @!p0 $0xffff, v9  }
0x8a: {  	v18 =	vld [tilespmem:s23+$0x80];
	_ =	sdelay $0x4  }
0x8b: {  	v18 =	vadd.s32 v0, v18;
	_ =	sdelay $0x4  }
0x8c: {  	[tilespmem:v18+s12+$0x0] =	vst.idx.msk $0xffff, v1  }
0x8d: {  	v18 =	vld [tilespmem:s23+$0x90];
	_ =	sdelay $0x4  }
0x8e: {  	v18 =	vadd.s32 v2, v18;
	_ =	sdelay $0x4  }
0x8f: {  	[tilespmem:v18+s12+$0x0] =	vst.idx.msk $0xffff, v1  }
0x90: {  	v18 =	vld [tilespmem:s23+$0xA0];
	_ =	sdelay $0x4  }
0x91: {  	v18 =	vadd.s32 v3, v18;
	_ =	sdelay $0x4  }
0x92: {  	[tilespmem:v18+s12+$0x0] =	vst.idx.msk $0xffff, v1  }
0x93: {  	v18 =	vld [tilespmem:s23+$0xB0];
	_ =	sdelay $0x4  }
0x94: {  	v18 =	vadd.s32 v4, v18;
	_ =	sdelay $0x4  }
0x95: {  	[tilespmem:v18+s12+$0x0] =	vst.idx.msk $0xffff, v1  }
0x96: {  	v18 =	vld [tilespmem:s23+$0xC0];
	_ =	sdelay $0x4  }
0x97: {  	v18 =	vadd.s32 v5, v18;
	_ =	sdelay $0x4  }
0x98: {  	[tilespmem:v18+s12+$0x0] =	vst.idx.msk $0xffff, v1  }
0x99: {  	v18 =	vld [tilespmem:s23+$0xD0];
	_ =	sdelay $0x4  }
0x9a: {  	v18 =	vadd.s32 v6, v18;
	_ =	sdelay $0x4  }
0x9b: {  	[tilespmem:v18+s12+$0x0] =	vst.idx.msk $0xffff, v1  }
0x9c: {  	v18 =	vld [tilespmem:s23+$0xE0];
	_ =	sdelay $0x4  }
0x9d: {  	v18 =	vadd.s32 v7, v18;
	_ =	sdelay $0x4  }
0x9e: {  	[tilespmem:v18+s12+$0x0] =	vst.idx.msk $0xffff, v1  }
0x9f: {  	v18 =	vld [tilespmem:s23+$0xF0];
	_ =	sdelay $0x4  }
0xa0: {  	v18 =	vadd.s32 v8, v18;
	_ =	sdelay $0x4  }
0xa1: {  	s28 =	sadd.s32 s24, s7;
	s25 =	simm.s32 @!p0 $0x3;
	[tilespmem:v18+s12+$0x0] =	vst.idx.msk $0xffff, v1  }
0xa2: {  	[hbm4b:s28+s2] =	stream.linear.scatter [tilespmem:s12], [sflag:$0x2], $0x4000, $0x38;
	[tilespmem:$0x1A400] =	vst v63  }
0xa3: {  	_ =	swait.ge @!p0 [sflag:s25], $0x4000  }
0xa4: {  	[sflag:s25] =	ssyncset.done @!p0 $0x0  }
0xa5: {  	[sflag:s25] =	ssyncadd.s32 @!p0 $0xFFFFC000  }
0xa6: {  	v18 =	vld @!p0 [tilespmem:s23+$0xFFFFFE80];
	_ =	sdelay $0x4  }
0xa7: {  	v18 =	vadd.s32 @!p0 v10, v18;
	_ =	sdelay $0x3  }
0xa8: {  	s25 =	simm.s32 @!p0 $0xE400  }
0xa9: {  	[tilespmem:v18+s25+$0x0] =	vst.idx.msk @!p0 $0xffff, v9  }
0xaa: {  	v18 =	vld @!p0 [tilespmem:s23+$0xFFFFFE90];
	_ =	sdelay $0x4  }
0xab: {  	v18 =	vadd.s32 @!p0 v11, v18;
	_ =	sdelay $0x4  }
0xac: {  	[tilespmem:v18+s25+$0x0] =	vst.idx.msk @!p0 $0xffff, v9  }
0xad: {  	v18 =	vld @!p0 [tilespmem:s23+$0xFFFFFEA0];
	_ =	sdelay $0x4  }
0xae: {  	v18 =	vadd.s32 @!p0 v12, v18;
	_ =	sdelay $0x4  }
0xaf: {  	[tilespmem:v18+s25+$0x0] =	vst.idx.msk @!p0 $0xffff, v9  }
0xb0: {  	v18 =	vld @!p0 [tilespmem:s23+$0xFFFFFEB0];
	_ =	sdelay $0x4  }
0xb1: {  	v18 =	vadd.s32 @!p0 v13, v18;
	_ =	sdelay $0x4  }
0xb2: {  	[tilespmem:v18+s25+$0x0] =	vst.idx.msk @!p0 $0xffff, v9  }
0xb3: {  	v18 =	vld @!p0 [tilespmem:s23+$0xFFFFFEC0];
	_ =	sdelay $0x4  }
0xb4: {  	v18 =	vadd.s32 @!p0 v14, v18;
	_ =	sdelay $0x4  }
0xb5: {  	[tilespmem:v18+s25+$0x0] =	vst.idx.msk @!p0 $0xffff, v9  }
0xb6: {  	v18 =	vld @!p0 [tilespmem:s23+$0xFFFFFED0];
	_ =	sdelay $0x4  }
0xb7: {  	v18 =	vadd.s32 @!p0 v15, v18;
	_ =	sdelay $0x4  }
0xb8: {  	[tilespmem:v18+s25+$0x0] =	vst.idx.msk @!p0 $0xffff, v9  }
0xb9: {  	v18 =	vld @!p0 [tilespmem:s23+$0xFFFFFEE0];
	_ =	sdelay $0x4  }
0xba: {  	v18 =	vadd.s32 @!p0 v16, v18;
	_ =	sdelay $0x4  }
0xbb: {  	[tilespmem:v18+s25+$0x0] =	vst.idx.msk @!p0 $0xffff, v9  }
0xbc: {  	v18 =	vld @!p0 [tilespmem:s23+$0xFFFFFEF0];
	_ =	sdelay $0x4  }
0xbd: {  	v18 =	vadd.s32 @!p0 v17, v18;
	_ =	sdelay $0x4  }
0xbe: {  	[tilespmem:v18+s25+$0x0] =	vst.idx.msk @!p0 $0xffff, v9  }
0xbf: {  	v18 =	vld [tilespmem:s23+$0x100];
	_ =	sdelay $0x4  }
0xc0: {  	v18 =	vadd.s32 v0, v18;
	_ =	sdelay $0x4  }
0xc1: {  	[tilespmem:v18+s13+$0x0] =	vst.idx.msk $0xffff, v1  }
0xc2: {  	v18 =	vld [tilespmem:s23+$0x110];
	_ =	sdelay $0x4  }
0xc3: {  	v18 =	vadd.s32 v2, v18;
	_ =	sdelay $0x4  }
0xc4: {  	[tilespmem:v18+s13+$0x0] =	vst.idx.msk $0xffff, v1  }
0xc5: {  	v18 =	vld [tilespmem:s23+$0x120];
	_ =	sdelay $0x4  }
0xc6: {  	v18 =	vadd.s32 v3, v18;
	_ =	sdelay $0x4  }
0xc7: {  	[tilespmem:v18+s13+$0x0] =	vst.idx.msk $0xffff, v1  }
0xc8: {  	v18 =	vld [tilespmem:s23+$0x130];
	_ =	sdelay $0x4  }
0xc9: {  	v18 =	vadd.s32 v4, v18;
	_ =	sdelay $0x4  }
0xca: {  	[tilespmem:v18+s13+$0x0] =	vst.idx.msk $0xffff, v1  }
0xcb: {  	v18 =	vld [tilespmem:s23+$0x140];
	_ =	sdelay $0x4  }
0xcc: {  	v18 =	vadd.s32 v5, v18;
	_ =	sdelay $0x4  }
0xcd: {  	[tilespmem:v18+s13+$0x0] =	vst.idx.msk $0xffff, v1  }
0xce: {  	v18 =	vld [tilespmem:s23+$0x150];
	_ =	sdelay $0x4  }
0xcf: {  	v18 =	vadd.s32 v6, v18;
	_ =	sdelay $0x4  }
0xd0: {  	[tilespmem:v18+s13+$0x0] =	vst.idx.msk $0xffff, v1  }
0xd1: {  	v18 =	vld [tilespmem:s23+$0x160];
	_ =	sdelay $0x4  }
0xd2: {  	v18 =	vadd.s32 v7, v18;
	_ =	sdelay $0x4  }
0xd3: {  	[tilespmem:v18+s13+$0x0] =	vst.idx.msk $0xffff, v1  }
0xd4: {  	v18 =	vld [tilespmem:s23+$0x170];
	_ =	sdelay $0x4  }
0xd5: {  	v18 =	vadd.s32 v8, v18;
	_ =	sdelay $0x4  }
0xd6: {  	s29 =	sadd.s32 s24, s8;
	s25 =	simm.s32 @!p0 $0x4;
	[tilespmem:v18+s13+$0x0] =	vst.idx.msk $0xffff, v1  }
0xd7: {  	[hbm4b:s29+s2] =	stream.linear.scatter [tilespmem:s13], [sflag:$0x3], $0x4000, $0x38;
	[tilespmem:$0x1A400] =	vst v63  }
0xd8: {  	_ =	swait.ge @!p0 [sflag:s25], $0x4000  }
0xd9: {  	[sflag:s25] =	ssyncset.done @!p0 $0x0  }
0xda: {  	[sflag:s25] =	ssyncadd.s32 @!p0 $0xFFFFC000  }
0xdb: {  	v18 =	vld @!p0 [tilespmem:s23+$0xFFFFFF00];
	_ =	sdelay $0x4  }
0xdc: {  	v18 =	vadd.s32 @!p0 v10, v18;
	_ =	sdelay $0x3  }
0xdd: {  	s25 =	simm.s32 @!p0 $0x12400  }
0xde: {  	[tilespmem:v18+s25+$0x0] =	vst.idx.msk @!p0 $0xffff, v9  }
0xdf: {  	v18 =	vld @!p0 [tilespmem:s23+$0xFFFFFF10];
	_ =	sdelay $0x4  }
0xe0: {  	v18 =	vadd.s32 @!p0 v11, v18;
	_ =	sdelay $0x4  }
0xe1: {  	[tilespmem:v18+s25+$0x0] =	vst.idx.msk @!p0 $0xffff, v9  }
0xe2: {  	v18 =	vld @!p0 [tilespmem:s23+$0xFFFFFF20];
	_ =	sdelay $0x4  }
0xe3: {  	v18 =	vadd.s32 @!p0 v12, v18;
	_ =	sdelay $0x4  }
0xe4: {  	[tilespmem:v18+s25+$0x0] =	vst.idx.msk @!p0 $0xffff, v9  }
0xe5: {  	v18 =	vld @!p0 [tilespmem:s23+$0xFFFFFF30];
	_ =	sdelay $0x4  }
0xe6: {  	v18 =	vadd.s32 @!p0 v13, v18;
	_ =	sdelay $0x4  }
0xe7: {  	[tilespmem:v18+s25+$0x0] =	vst.idx.msk @!p0 $0xffff, v9  }
0xe8: {  	v18 =	vld @!p0 [tilespmem:s23+$0xFFFFFF40];
	_ =	sdelay $0x4  }
0xe9: {  	v18 =	vadd.s32 @!p0 v14, v18;
	_ =	sdelay $0x4  }
0xea: {  	[tilespmem:v18+s25+$0x0] =	vst.idx.msk @!p0 $0xffff, v9  }
0xeb: {  	v18 =	vld @!p0 [tilespmem:s23+$0xFFFFFF50];
	_ =	sdelay $0x4  }
0xec: {  	v18 =	vadd.s32 @!p0 v15, v18;
	_ =	sdelay $0x4  }
0xed: {  	[tilespmem:v18+s25+$0x0] =	vst.idx.msk @!p0 $0xffff, v9  }
0xee: {  	v18 =	vld @!p0 [tilespmem:s23+$0xFFFFFF60];
	_ =	sdelay $0x4  }
0xef: {  	v18 =	vadd.s32 @!p0 v16, v18;
	_ =	sdelay $0x4  }
0xf0: {  	[tilespmem:v18+s25+$0x0] =	vst.idx.msk @!p0 $0xffff, v9  }
0xf1: {  	v18 =	vld @!p0 [tilespmem:s23+$0xFFFFFF70];
	_ =	sdelay $0x4  }
0xf2: {  	v18 =	vadd.s32 @!p0 v17, v18;
	_ =	sdelay $0x4  }
0xf3: {  	[tilespmem:v18+s25+$0x0] =	vst.idx.msk @!p0 $0xffff, v9  }
0xf4: {  	v18 =	vld [tilespmem:s23+$0x180];
	_ =	sdelay $0x4  }
0xf5: {  	v18 =	vadd.s32 v0, v18;
	_ =	sdelay $0x4  }
0xf6: {  	[tilespmem:v18+s14+$0x0] =	vst.idx.msk $0xffff, v1  }
0xf7: {  	v18 =	vld [tilespmem:s23+$0x190];
	_ =	sdelay $0x4  }
0xf8: {  	v18 =	vadd.s32 v2, v18;
	_ =	sdelay $0x4  }
0xf9: {  	[tilespmem:v18+s14+$0x0] =	vst.idx.msk $0xffff, v1  }
0xfa: {  	v18 =	vld [tilespmem:s23+$0x1A0];
	_ =	sdelay $0x4  }
0xfb: {  	v18 =	vadd.s32 v3, v18;
	_ =	sdelay $0x4  }
0xfc: {  	[tilespmem:v18+s14+$0x0] =	vst.idx.msk $0xffff, v1  }
0xfd: {  	v18 =	vld [tilespmem:s23+$0x1B0];
	_ =	sdelay $0x4  }
0xfe: {  	v18 =	vadd.s32 v4, v18;
	_ =	sdelay $0x4  }
0xff: {  	[tilespmem:v18+s14+$0x0] =	vst.idx.msk $0xffff, v1  }
0x100: {  	v18 =	vld [tilespmem:s23+$0x1C0];
	_ =	sdelay $0x4  }
0x101: {  	v18 =	vadd.s32 v5, v18;
	_ =	sdelay $0x4  }
0x102: {  	[tilespmem:v18+s14+$0x0] =	vst.idx.msk $0xffff, v1  }
0x103: {  	v18 =	vld [tilespmem:s23+$0x1D0];
	_ =	sdelay $0x4  }
0x104: {  	v18 =	vadd.s32 v6, v18;
	_ =	sdelay $0x4  }
0x105: {  	[tilespmem:v18+s14+$0x0] =	vst.idx.msk $0xffff, v1  }
0x106: {  	v18 =	vld [tilespmem:s23+$0x1E0];
	_ =	sdelay $0x4  }
0x107: {  	v18 =	vadd.s32 v7, v18;
	_ =	sdelay $0x4  }
0x108: {  	[tilespmem:v18+s14+$0x0] =	vst.idx.msk $0xffff, v1  }
0x109: {  	v18 =	vld [tilespmem:s23+$0x1F0];
	_ =	sdelay $0x4  }
0x10a: {  	v18 =	vadd.s32 v8, v18;
	_ =	sdelay $0x4  }
0x10b: {  	s30 =	sadd.s32 s24, s9;
	s25 =	simm.s32 @!p0 $0x5;
	[tilespmem:v18+s14+$0x0] =	vst.idx.msk $0xffff, v1  }
0x10c: {  	[hbm4b:s30+s2] =	stream.linear.scatter [tilespmem:s14], [sflag:$0x4], $0x4000, $0x38;
	[tilespmem:$0x1A400] =	vst v63  }
0x10d: {  	_ =	swait.ge @!p0 [sflag:s25], $0x4000  }
0x10e: {  	[sflag:s25] =	ssyncset.done @!p0 $0x0  }
0x10f: {  	[sflag:s25] =	ssyncadd.s32 @!p0 $0xFFFFC000  }
0x110: {  	v18 =	vld @!p0 [tilespmem:s23+$0xFFFFFF80];
	_ =	sdelay $0x4  }
0x111: {  	v10 =	vadd.s32 @!p0 v10, v18;
	_ =	sdelay $0x3  }
0x112: {  	s25 =	simm.s32 @!p0 $0x16400  }
0x113: {  	[tilespmem:v10+s25+$0x0] =	vst.idx.msk @!p0 $0xffff, v9  }
0x114: {  	v10 =	vld @!p0 [tilespmem:s23+$0xFFFFFF90];
	_ =	sdelay $0x4  }
0x115: {  	v10 =	vadd.s32 @!p0 v11, v10;
	_ =	sdelay $0x4  }
0x116: {  	[tilespmem:v10+s25+$0x0] =	vst.idx.msk @!p0 $0xffff, v9  }
0x117: {  	v10 =	vld @!p0 [tilespmem:s23+$0xFFFFFFA0];
	_ =	sdelay $0x4  }
0x118: {  	v10 =	vadd.s32 @!p0 v12, v10;
	_ =	sdelay $0x4  }
0x119: {  	[tilespmem:v10+s25+$0x0] =	vst.idx.msk @!p0 $0xffff, v9  }
0x11a: {  	v10 =	vld @!p0 [tilespmem:s23+$0xFFFFFFB0];
	_ =	sdelay $0x4  }
0x11b: {  	v10 =	vadd.s32 @!p0 v13, v10;
	_ =	sdelay $0x4  }
0x11c: {  	[tilespmem:v10+s25+$0x0] =	vst.idx.msk @!p0 $0xffff, v9  }
0x11d: {  	v10 =	vld @!p0 [tilespmem:s23+$0xFFFFFFC0];
	_ =	sdelay $0x4  }
0x11e: {  	v10 =	vadd.s32 @!p0 v14, v10;
	_ =	sdelay $0x4  }
0x11f: {  	[tilespmem:v10+s25+$0x0] =	vst.idx.msk @!p0 $0xffff, v9  }
0x120: {  	v10 =	vld @!p0 [tilespmem:s23+$0xFFFFFFD0];
	_ =	sdelay $0x4  }
0x121: {  	v10 =	vadd.s32 @!p0 v15, v10;
	_ =	sdelay $0x4  }
0x122: {  	[tilespmem:v10+s25+$0x0] =	vst.idx.msk @!p0 $0xffff, v9  }
0x123: {  	v10 =	vld @!p0 [tilespmem:s23+$0xFFFFFFE0];
	_ =	sdelay $0x4  }
0x124: {  	v10 =	vadd.s32 @!p0 v16, v10;
	_ =	sdelay $0x4  }
0x125: {  	[tilespmem:v10+s25+$0x0] =	vst.idx.msk @!p0 $0xffff, v9  }
0x126: {  	v10 =	vld @!p0 [tilespmem:s23+$0xFFFFFFF0];
	_ =	sdelay $0x4  }
0x127: {  	v10 =	vadd.s32 @!p0 v17, v10;
	_ =	sdelay $0x4  }
0x128: {  	[tilespmem:v10+s25+$0x0] =	vst.idx.msk @!p0 $0xffff, v9  }
0x129: {  	v9 =	vld [tilespmem:s23+$0x200];
	_ =	sdelay $0x4  }
0x12a: {  	v9 =	vadd.s32 v0, v9;
	_ =	sdelay $0x4  }
0x12b: {  	[tilespmem:v9+s15+$0x0] =	vst.idx.msk $0xffff, v1  }
0x12c: {  	v9 =	vld [tilespmem:s23+$0x210];
	_ =	sdelay $0x4  }
0x12d: {  	v9 =	vadd.s32 v2, v9;
	_ =	sdelay $0x4  }
0x12e: {  	[tilespmem:v9+s15+$0x0] =	vst.idx.msk $0xffff, v1  }
0x12f: {  	v9 =	vld [tilespmem:s23+$0x220];
	_ =	sdelay $0x4  }
0x130: {  	v9 =	vadd.s32 v3, v9;
	_ =	sdelay $0x4  }
0x131: {  	[tilespmem:v9+s15+$0x0] =	vst.idx.msk $0xffff, v1  }
0x132: {  	v9 =	vld [tilespmem:s23+$0x230];
	_ =	sdelay $0x4  }
0x133: {  	v9 =	vadd.s32 v4, v9;
	_ =	sdelay $0x4  }
0x134: {  	[tilespmem:v9+s15+$0x0] =	vst.idx.msk $0xffff, v1  }
0x135: {  	v9 =	vld [tilespmem:s23+$0x240];
	_ =	sdelay $0x4  }
0x136: {  	v9 =	vadd.s32 v5, v9;
	_ =	sdelay $0x4  }
0x137: {  	[tilespmem:v9+s15+$0x0] =	vst.idx.msk $0xffff, v1  }
0x138: {  	v9 =	vld [tilespmem:s23+$0x250];
	_ =	sdelay $0x4  }
0x139: {  	v9 =	vadd.s32 v6, v9;
	_ =	sdelay $0x4  }
0x13a: {  	[tilespmem:v9+s15+$0x0] =	vst.idx.msk $0xffff, v1  }
0x13b: {  	v9 =	vld [tilespmem:s23+$0x260];
	_ =	sdelay $0x4  }
0x13c: {  	v9 =	vadd.s32 v7, v9;
	_ =	sdelay $0x4  }
0x13d: {  	[tilespmem:v9+s15+$0x0] =	vst.idx.msk $0xffff, v1  }
0x13e: {  	v9 =	vld [tilespmem:s23+$0x270];
	_ =	sdelay $0x4  }
0x13f: {  	s31 =	sadd.s32 s24, s10;
	s24 =	sadd.s32 $0x2800, s24;
	v9 =	vadd.s32 v8, v9  }
0x140: {  	p0 =	sne.s32 s24, $0x64000  }
.Ltmp0:
0x141: {  	_ = 	snop;
	(pc) =	sbr.rel @p0 .LBB2_2-.Ltmp0, $3  }
0x142: {  	_ =	sdelay $0x1  }
0x143: {  	s23 =	sadd.s32 $0x280, s23;
	[tilespmem:v9+s15+$0x0] =	vst.idx.msk $0xffff, v1  }
0x144: {  	[hbm4b:s31+s2] =	stream.linear.scatter [tilespmem:s15], [sflag:$0x5], $0x4000, $0x38;
	[tilespmem:$0x1A400] =	vst v63  }
0x145: {  	_ =	swait.ge [sflag:s17], $0x4000  }
0x146: {  	[sflag:s17] =	ssyncset.done $0x0  }
0x147: {  	[sflag:s17] =	ssyncadd.s32 $0xFFFFC000  }
0x148: {  	_ =	swait.ge [sflag:s18], $0x4000  }
0x149: {  	[sflag:s18] =	ssyncset.done $0x0  }
0x14a: {  	[sflag:s18] =	ssyncadd.s32 $0xFFFFC000  }
0x14b: {  	_ =	swait.ge [sflag:s19], $0x4000  }
0x14c: {  	[sflag:s19] =	ssyncset.done $0x0  }
0x14d: {  	s22 =	sadd.s32 $0x1, s22;
	[sflag:s19] =	ssyncadd.s32 $0xFFFFC000  }
0x14e: {  	p0 =	sne.s32 s22, s5;
	_ =	swait.ge [sflag:s20], $0x4000  }
.Ltmp1:
0x14f: {  	[sflag:s20] =	ssyncset.done $0x0;
	(pc) =	sbr.rel @p0 .LBB2_1-.Ltmp1, $4  }
0x150: {  	[sflag:s20] =	ssyncadd.s32 $0xFFFFC000  }
0x151: {  	_ =	swait.ge [sflag:s21], $0x4000  }
0x152: {  	[sflag:s21] =	ssyncset.done $0x0  }
0x153: {  	[sflag:s21] =	ssyncadd.s32 $0xFFFFC000  }
0x154: {  	_ =	sfence.sel $0x180000  }
0x155: {  	[bflag:$0x0] =	sbarrier.arrive $0xFFFF  }
0x156: {  	p0 =	sne.s32 s0, $0x0;
	_ =	strace $0x90000047  }
0x157: {  	s0 =	sadd.s32 @!p0 $0x100000, s1;
	[bflag:$0x2] =	sbarrier.arrive $0xFFFF  }
0x158: {  	[sflag:s0] =	ssyncadd.tile.s32 @!p0 $0x1;
	_ =	shalt  }
.Lfunc_end2:
_tile_overlayer_lowered:
.L_overlay_start_2:
0x159: {  	(tag) =	ssettag $0x2  }
0x15a: {  	s0 =	rddreg [dreg:$0x0];
	s2 =	stileid.u32  }
0x15b: {  	s1 =	rddreg [dreg:$0x1];
	p0 =	sne.s32 s2, $0x0  }
0x15c: {  	s3 =	rddreg [dreg:$0x2];
	[bflag:$0x3] =	sbarrier.arrive $0xFFFF;
	s2 =	simm.s32 @!p0 $0x1C07  }
0x15d: {  	[timem:s3], [sflag:s2] =	dma.local @!p0 [hbm:s0], s1  }
0x15e: {  	s0 =	simm.s32 @!p0 $0x7  }
0x15f: {  	_ =	swait.ge @!p0 [sflag:s0], s1  }
0x160: {  	s1 =	ssub.s32 @!p0 $0x0, s1;
	[sflag:s0] =	ssyncset.done @!p0 $0x0  }
0x161: {  	[sflag:s0] =	ssyncadd.s32 @!p0 s1  }
0x162: {  	[bflag:$0x3] =	sbarrier.arrive $0xFFFF  }
0x163: {  	_ =	shalt  }

</sc_bundles>
